<compile_context>
chip_gen: v7x
topology: tpu7x:2x2x1
jax: 0.10.2.dev20260603
libtpu: 0.0.44.dev20260713+nightly
codegen_flags: <defaults>
</compile_context>

<pallas_src>
import functools

import jax
import jax.numpy as jnp
from jax import lax
from jax.experimental import pallas as pl
from jax.experimental.pallas import tpu as pltpu
from jax.experimental.pallas import tpu_sc as plsc

_VOCAB = 100000
_NFIELDS = 26
_EMB = 64
_B = 4096
_R = _B * _NFIELDS
_NW = 32
_RPW = _R // _NW
_CHUNK = 104
_NCHUNK = 8
_WROWS = _CHUNK * _NCHUNK
_NWAVE = _RPW // _WROWS


def _sc_gather(flat_tables, flat_xi, offsets):
    mesh = plsc.VectorSubcoreMesh(core_axis_name="c", subcore_axis_name="s")

    @functools.partial(
        pl.kernel,
        out_type=jax.ShapeDtypeStruct((_R, _EMB), jnp.float32),
        mesh=mesh,
        scratch_types=[
            pltpu.VMEM((_RPW,), jnp.int32),
            pltpu.VMEM((_RPW,), jnp.int32),
            pltpu.VMEM((_WROWS, _EMB), jnp.float32),
            pltpu.VMEM((_WROWS, _EMB), jnp.float32),
            pltpu.SemaphoreType.DMA,
            pltpu.SemaphoreType.DMA,
            pltpu.SemaphoreType.DMA,
            pltpu.SemaphoreType.DMA,
        ],
        compiler_params=pltpu.CompilerParams(use_tc_tiling_on_sc=False),
    )
    def k(tab_hbm, xi_hbm, off_hbm, out_hbm,
          idx_v, off_v, buf0, buf1, gsem0, gsem1, osem0, osem1):
        wid = lax.axis_index("c") * 16 + lax.axis_index("s")
        base = wid * _RPW
        pltpu.sync_copy(xi_hbm.at[pl.ds(base, _RPW)], idx_v)
        pltpu.sync_copy(off_hbm, off_v)

        def add_off(i, carry):
            s = pl.ds(i * 16, 16)
            idx_v[s] = idx_v[s] + off_v[s]
            return carry

        lax.fori_loop(0, _RPW // 16, add_off, 0, unroll=4)

        def fire(buf, wave, sem):
            cps = []
            for c in range(_NCHUNK):
                row0 = wave * _WROWS + c * _CHUNK
                cp = pltpu.make_async_copy(
                    tab_hbm.at[idx_v.at[pl.ds(row0, _CHUNK)]],
                    buf.at[pl.ds(c * _CHUNK, _CHUNK)],
                    sem,
                )
                cp.start()
                cps.append(cp)
            return cps

        def out_copy(buf, wave, sem):
            cp = pltpu.make_async_copy(
                buf, out_hbm.at[pl.ds(base + wave * _WROWS, _WROWS)], sem)
            cp.start()
            return cp

        def drain(cps):
            for cp in cps:
                cp.wait()

        g0 = fire(buf0, 0, gsem0)
        g1 = fire(buf1, 1, gsem1)
        drain(g0)
        o0 = out_copy(buf0, 0, osem0)
        drain(g1)
        o1 = out_copy(buf1, 1, osem1)
        o0.wait()
        g2 = fire(buf0, 2, gsem0)
        o1.wait()
        g3 = fire(buf1, 3, gsem1)
        drain(g2)
        o2 = out_copy(buf0, 2, osem0)
        drain(g3)
        o3 = out_copy(buf1, 3, osem1)
        o2.wait()
        o3.wait()

    return k(flat_tables, flat_xi, offsets)


def _mm(x, w):
    return lax.dot_general(x, w, (((1,), (1,)), ((), ())),
                           preferred_element_type=jnp.float32)


def _mlp_body(emb_ref, xv_ref, dw_ref, dw1_ref,
              bw1_ref, bb1_ref, bw2_ref, bb2_ref, bw3_ref, bb3_ref,
              cw1_ref, cb1_ref, cw2_ref, cb2_ref, cw3_ref, cb3_ref,
              te_ref, t0_ref, t1_ref, tb1_ref, tw2_ref, tb2_ref,
              tw3_ref, tb3_ref, out_ref):
    xv = xv_ref[...]
    relu = lambda v: jnp.maximum(v, 0.0)

    x0 = xv * dw_ref[...]
    h = relu(_mm(x0, bw1_ref[...]) + bb1_ref[...])
    h = relu(_mm(h, bw2_ref[...]) + bb2_ref[...])
    bot0 = relu(_mm(h, bw3_ref[...]) + bb3_ref[...])

    x1 = xv * dw1_ref[...]
    h = relu(_mm(x1, cw1_ref[...]) + cb1_ref[...])
    h = relu(_mm(h, cw2_ref[...]) + cb2_ref[...])
    bot1 = relu(_mm(h, cw3_ref[...]) + cb3_ref[...])

    t = _mm(emb_ref[...], te_ref[...])
    t += _mm(bot0, t0_ref[...]) + _mm(bot1, t1_ref[...]) + tb1_ref[...]
    t = relu(t)
    t = relu(_mm(t, tw2_ref[...]) + tb2_ref[...])
    out = jnp.sum(t * tw3_ref[...], axis=1, keepdims=True) + tb3_ref[0, 0]
    out_ref[...] = out


def _tc_mlp(emb, xv_p, dw_p, dw1_p, bot, bot1, top):
    bm = 1024
    grid = (_B // bm,)
    full = lambda shape: pl.BlockSpec(shape, lambda i: tuple(0 for _ in shape))
    wspecs = []
    wargs = []
    for w in (*bot, *bot1, *top):
        wspecs.append(full(w.shape))
        wargs.append(w)
    return pl.pallas_call(
        _mlp_body,
        grid=grid,
        in_specs=[
            pl.BlockSpec((bm, _NFIELDS * _EMB), lambda i: (i, 0)),
            pl.BlockSpec((bm, 128), lambda i: (i, 0)),
            full(dw_p.shape),
            full(dw1_p.shape),
            *wspecs,
        ],
        out_specs=pl.BlockSpec((bm, 1), lambda i: (i, 0)),
        out_shape=jax.ShapeDtypeStruct((_B, 1), jnp.float32),
    )(emb, xv_p, dw_p, dw1_p, *wargs)


def kernel(Xi, Xv, emb_tables, dense_weight, dense_weight_1,
           bot_params, bot1_params, top_params):
    flat_tables = emb_tables.reshape(_NFIELDS * _VOCAB, _EMB)
    flat_xi = Xi.reshape(_R).astype(jnp.int32)
    offsets = jnp.tile(jnp.arange(_NFIELDS, dtype=jnp.int32) * _VOCAB,
                       _RPW // _NFIELDS)

    emb = _sc_gather(flat_tables, flat_xi, offsets).reshape(_B, _NFIELDS * _EMB)

    xv_p = jnp.pad(Xv, ((0, 0), (0, 128 - 13)))
    dw_p = jnp.pad(dense_weight, (0, 128 - 13)).reshape(1, 128)
    dw1_p = jnp.pad(dense_weight_1, (0, 128 - 13)).reshape(1, 128)

    def prep_mlp(params, pad_first_k=None):
        out = []
        n = len(params) // 2
        for i in range(n):
            w, b = params[2 * i], params[2 * i + 1]
            if i == 0 and pad_first_k is not None:
                w = jnp.pad(w, ((0, 0), (0, pad_first_k - w.shape[1])))
            out.append(w)
            out.append(b.reshape(1, -1))
        return out

    bot = prep_mlp(bot_params, pad_first_k=128)
    bot1 = prep_mlp(bot1_params, pad_first_k=128)

    tw1, tb1, tw2, tb2, tw3, tb3 = top_params
    ne = _NFIELDS * _EMB
    top = [
        tw1[:, :ne],
        tw1[:, ne:ne + _EMB],
        tw1[:, ne + _EMB:],
        tb1.reshape(1, -1),
        tw2, tb2.reshape(1, -1),
        tw3,
        tb3.reshape(1, 1),
    ]
    return _tc_mlp(emb, xv_p, dw_p, dw1_p, bot, bot1, top)

# --- scband reference (transcript-rebuilt; emitter-appended) ---
"""Pipeline reference for scband-dlrm-12610023981508 (READ-ONLY COPY).

The authoritative reference and input builder live on the scoring server;
editing this copy changes nothing except your own understanding.
"""

import jax, jax.numpy as jnp
import numpy as np

VOCAB = 100000
NFIELDS = 26
EMB = 64
B = 4096
NUM_DENSE = 13
BOT_DIMS = [13, 512, 256, 64]
TOP_DIMS = [NFIELDS * EMB + 2 * 64, 512, 256, 1]


def _mlp_params(key, dims):
    ps = []
    for i in range(len(dims) - 1):
        key, k1, k2 = jax.random.split(key, 3)
        lim = 1.0 / np.sqrt(dims[i])
        W = jax.random.uniform(k1, (dims[i + 1], dims[i]), minval=-lim, maxval=lim, dtype=jnp.float32)
        b = jax.random.uniform(k2, (dims[i + 1],), minval=-lim, maxval=lim, dtype=jnp.float32)
        ps += [W, b]
    return tuple(ps)


def setup_inputs(seed: int = 0) -> dict:
    key = jax.random.key(seed)
    ks = jax.random.split(key, 8)
    Xi = jax.random.randint(ks[0], (B, NFIELDS, 1), 0, VOCAB, dtype=jnp.int32)
    Xv = jax.random.uniform(ks[1], (B, NUM_DENSE), dtype=jnp.float32)
    lim = np.sqrt(1.0 / VOCAB)
    emb_tables = jax.random.uniform(ks[2], (NFIELDS, VOCAB, EMB), minval=-lim, maxval=lim, dtype=jnp.float32)
    return {
        "Xi": Xi,
        "Xv": Xv,
        "emb_tables": emb_tables,
        "dense_weight": jnp.ones((NUM_DENSE,), dtype=jnp.float32),
        "dense_weight_1": jnp.ones((NUM_DENSE,), dtype=jnp.float32),
        "bot_params": _mlp_params(ks[3], BOT_DIMS),
        "bot1_params": _mlp_params(ks[4], BOT_DIMS),
        "top_params": _mlp_params(ks[5], TOP_DIMS),
    }


def _mlp(x, params, last_linear=False):
    n = len(params) // 2
    for i in range(n):
        W, b = params[2 * i], params[2 * i + 1]
        x = x @ W.T + b
        if not (last_linear and i == n - 1):
            x = jax.nn.relu(x)
    return x


def reference(Xi, Xv, emb_tables, dense_weight, dense_weight_1, bot_params, bot1_params, top_params):
    # dense feature reweighting (eval mode: dropout = identity)
    Xv0 = Xv * dense_weight
    Xv1 = Xv * dense_weight_1
    bottom_mlp_result = _mlp(Xv0, bot_params)
    bottom_mlp_result_1 = _mlp(Xv1, bot1_params)
    # EmbeddingBag(mode='sum') over bag dimension of size 1, one table per sparse field
    embedding_array = []
    for j in range(NFIELDS):
        V = jnp.take(emb_tables[j], Xi[:, j, :], axis=0).sum(axis=1)
        embedding_array.append(V)
    dlrm_emb_vec = jnp.concatenate(embedding_array, axis=1)  # [B, 26*64]
    # interaction_op == 'cat': concat embeddings with bottom MLP outputs
    # (top_mlp_insize = interaction_size + 2*bottom_mlp[-1], so two bottom MLP branches feed the top MLP)
    top_mlp_input = jnp.concatenate([dlrm_emb_vec, bottom_mlp_result, bottom_mlp_result_1], axis=1)
    out = _mlp(top_mlp_input, top_params, last_linear=True)
    return out

if __name__ == "__main__":
    import jax
    _d = setup_inputs()
    print(jax.jit(kernel)(*tuple(_d.values())))

</pallas_src>

<mosaic_0001>
#map = affine_map<(d0, d1) -> (0, 0)>
#map1 = affine_map<(d0, d1) -> (0)>
module attributes {stable_mosaic.version = 14 : i64} {
  func.func @k(%arg0: i32, %arg1: i32, %arg2: memref<2600000x64xf32, #tpu.memory_space<hbm>>, %arg3: memref<106496xi32, #tpu.memory_space<hbm>>, %arg4: memref<3328xi32, #tpu.memory_space<hbm>>, %arg5: memref<106496x64xf32, #tpu.memory_space<hbm>>, %arg6: memref<3328xi32, #tpu.memory_space<vmem>>, %arg7: memref<3328xi32, #tpu.memory_space<vmem>>, %arg8: memref<832x64xf32, #tpu.memory_space<vmem>>, %arg9: memref<832x64xf32, #tpu.memory_space<vmem>>, %arg10: memref<!tpu.dma_semaphore, #tpu.memory_space<semaphore_mem>>, %arg11: memref<!tpu.dma_semaphore, #tpu.memory_space<semaphore_mem>>, %arg12: memref<!tpu.dma_semaphore, #tpu.memory_space<semaphore_mem>>, %arg13: memref<!tpu.dma_semaphore, #tpu.memory_space<semaphore_mem>>) attributes {dimension_semantics = [#tpu.dimension_semantics<core_parallel>, #tpu.dimension_semantics<subcore_parallel>], iteration_bounds = array<i64: 2, 16>, scalar_prefetch = 0 : i64, scratch_operands = 8 : i64, tpu.core_type = #tpu.core_type<sc_vector_subcore>, window_params = [{transform_indices = #map}, {transform_indices = #map1}, {transform_indices = #map1}, {transform_indices = #map}]} {
    %mul3A = arith.constant 16 : i32
    %mul3A_0 = arith.muli %arg0, %mul3A : i32
    %add3A = arith.addi %mul3A_0, %arg1 : i32
    %mul3A_1 = arith.constant 3328 : i32
    %mul3A_2 = arith.muli %add3A, %mul3A_1 : i32
    "tpu.region"() ({
      %run_scoped3A = tpu.sem_alloc : memref<!tpu.dma_semaphore, #tpu.memory_space<semaphore_mem>>
      %dma_start3A_558 = tpu.memref_slice %arg3[%mul3A_2] : memref<106496xi32, #tpu.memory_space<hbm>> -> memref<3328xi32, #tpu.memory_space<hbm>>
      %dma_start3A_559 = tpu.memref_slice %arg3[%mul3A_2] : memref<106496xi32, #tpu.memory_space<hbm>> -> memref<3328xi32, #tpu.memory_space<hbm>>
      tpu.enqueue_dma source(%dma_start3A_559 : memref<3328xi32, #tpu.memory_space<hbm>>) target(%arg6 : memref<3328xi32, #tpu.memory_space<vmem>>) target_semaphore(%run_scoped3A : memref<!tpu.dma_semaphore, #tpu.memory_space<semaphore_mem>>)
      %dma_wait3A_560 = tpu.memref_slice %arg3[%mul3A_2] : memref<106496xi32, #tpu.memory_space<hbm>> -> memref<3328xi32, #tpu.memory_space<hbm>>
      %dma_wait3A_561 = tpu.memref_slice %arg3[%mul3A_2] : memref<106496xi32, #tpu.memory_space<hbm>> -> memref<3328xi32, #tpu.memory_space<hbm>>
      tpu.wait_dma2 semaphore(%run_scoped3A : memref<!tpu.dma_semaphore, #tpu.memory_space<semaphore_mem>>) src(%dma_wait3A_561 : memref<3328xi32, #tpu.memory_space<hbm>>) dst(%arg6 : memref<3328xi32, #tpu.memory_space<vmem>>)
      tpu.yield
    }) : () -> ()
    "tpu.region"() ({
      %run_scoped3A = tpu.sem_alloc : memref<!tpu.dma_semaphore, #tpu.memory_space<semaphore_mem>>
      tpu.enqueue_dma source(%arg4 : memref<3328xi32, #tpu.memory_space<hbm>>) target(%arg7 : memref<3328xi32, #tpu.memory_space<vmem>>) target_semaphore(%run_scoped3A : memref<!tpu.dma_semaphore, #tpu.memory_space<semaphore_mem>>)
      tpu.wait_dma2 semaphore(%run_scoped3A : memref<!tpu.dma_semaphore, #tpu.memory_space<semaphore_mem>>) src(%arg4 : memref<3328xi32, #tpu.memory_space<hbm>>) dst(%arg7 : memref<3328xi32, #tpu.memory_space<vmem>>)
      tpu.yield
    }) : () -> ()
    %scan3A = arith.constant 0 : i32
    %scan3A_3 = arith.constant 0 : i32
    %scan3A_4 = arith.constant 208 : i32
    %scan3A_5 = arith.addi %scan3A_3, %scan3A_4 : i32
    %scan3A_6 = arith.constant 4 : i32
    scf.for %scan3A_558 = %scan3A_3 to %scan3A_5 step %scan3A_6  : i32 {
      %mul3A_559 = arith.constant 16 : i32
      %mul3A_560 = arith.muli %scan3A_558, %mul3A_559 : i32
      %get3A = arith.index_cast %mul3A_560 : i32 to index
      %get3A_561 = tpu.vector_load %arg6[%get3A] {strides = array<i32>} : memref<3328xi32, #tpu.memory_space<vmem>>, vector<16xi32>,
      %get3A_562 = vector.shape_cast %get3A_561 : vector<16xi32> to vector<16xi32>
      %get3A_563 = arith.index_cast %mul3A_560 : i32 to index
      %get3A_564 = tpu.vector_load %arg7[%get3A_563] {strides = array<i32>} : memref<3328xi32, #tpu.memory_space<vmem>>, vector<16xi32>,
      %get3A_565 = vector.shape_cast %get3A_564 : vector<16xi32> to vector<16xi32>
      %add3A_566 = arith.addi %get3A_562, %get3A_565 : vector<16xi32>
      %swap3A = arith.index_cast %mul3A_560 : i32 to index
      %swap3A_567 = tpu.vector_load %arg6[%swap3A] {strides = array<i32>} : memref<3328xi32, #tpu.memory_space<vmem>>, vector<16xi32>,
      %swap3A_568 = vector.shape_cast %swap3A_567 : vector<16xi32> to vector<16xi32>
      %swap3A_569 = vector.shape_cast %add3A_566 : vector<16xi32> to vector<16xi32>
      tpu.vector_store %arg6[%swap3A], %swap3A_569 {strides = array<i32>} : memref<3328xi32, #tpu.memory_space<vmem>>, vector<16xi32>,
      %scan3A_570 = arith.constant 1 : i32
      %scan3A_571 = arith.addi %scan3A_558, %scan3A_570 : i32
      %mul3A_572 = arith.constant 16 : i32
      %mul3A_573 = arith.muli %scan3A_571, %mul3A_572 : i32
      %get3A_574 = arith.index_cast %mul3A_573 : i32 to index
      %get3A_575 = tpu.vector_load %arg6[%get3A_574] {strides = array<i32>} : memref<3328xi32, #tpu.memory_space<vmem>>, vector<16xi32>,
      %get3A_576 = vector.shape_cast %get3A_575 : vector<16xi32> to vector<16xi32>
      %get3A_577 = arith.index_cast %mul3A_573 : i32 to index
      %get3A_578 = tpu.vector_load %arg7[%get3A_577] {strides = array<i32>} : memref<3328xi32, #tpu.memory_space<vmem>>, vector<16xi32>,
      %get3A_579 = vector.shape_cast %get3A_578 : vector<16xi32> to vector<16xi32>
      %add3A_580 = arith.addi %get3A_576, %get3A_579 : vector<16xi32>
      %swap3A_581 = arith.index_cast %mul3A_573 : i32 to index
      %swap3A_582 = tpu.vector_load %arg6[%swap3A_581] {strides = array<i32>} : memref<3328xi32, #tpu.memory_space<vmem>>, vector<16xi32>,
      %swap3A_583 = vector.shape_cast %swap3A_582 : vector<16xi32> to vector<16xi32>
      %swap3A_584 = vector.shape_cast %add3A_580 : vector<16xi32> to vector<16xi32>
      tpu.vector_store %arg6[%swap3A_581], %swap3A_584 {strides = array<i32>} : memref<3328xi32, #tpu.memory_space<vmem>>, vector<16xi32>,
      %scan3A_585 = arith.constant 2 : i32
      %scan3A_586 = arith.addi %scan3A_558, %scan3A_585 : i32
      %mul3A_587 = arith.constant 16 : i32
      %mul3A_588 = arith.muli %scan3A_586, %mul3A_587 : i32
      %get3A_589 = arith.index_cast %mul3A_588 : i32 to index
      %get3A_590 = tpu.vector_load %arg6[%get3A_589] {strides = array<i32>} : memref<3328xi32, #tpu.memory_space<vmem>>, vector<16xi32>,
      %get3A_591 = vector.shape_cast %get3A_590 : vector<16xi32> to vector<16xi32>
      %get3A_592 = arith.index_cast %mul3A_588 : i32 to index
      %get3A_593 = tpu.vector_load %arg7[%get3A_592] {strides = array<i32>} : memref<3328xi32, #tpu.memory_space<vmem>>, vector<16xi32>,
      %get3A_594 = vector.shape_cast %get3A_593 : vector<16xi32> to vector<16xi32>
      %add3A_595 = arith.addi %get3A_591, %get3A_594 : vector<16xi32>
      %swap3A_596 = arith.index_cast %mul3A_588 : i32 to index
      %swap3A_597 = tpu.vector_load %arg6[%swap3A_596] {strides = array<i32>} : memref<3328xi32, #tpu.memory_space<vmem>>, vector<16xi32>,
      %swap3A_598 = vector.shape_cast %swap3A_597 : vector<16xi32> to vector<16xi32>
      %swap3A_599 = vector.shape_cast %add3A_595 : vector<16xi32> to vector<16xi32>
      tpu.vector_store %arg6[%swap3A_596], %swap3A_599 {strides = array<i32>} : memref<3328xi32, #tpu.memory_space<vmem>>, vector<16xi32>,
      %scan3A_600 = arith.constant 3 : i32
      %scan3A_601 = arith.addi %scan3A_558, %scan3A_600 : i32
      %mul3A_602 = arith.constant 16 : i32
      %mul3A_603 = arith.muli %scan3A_601, %mul3A_602 : i32
      %get3A_604 = arith.index_cast %mul3A_603 : i32 to index
      %get3A_605 = tpu.vector_load %arg6[%get3A_604] {strides = array<i32>} : memref<3328xi32, #tpu.memory_space<vmem>>, vector<16xi32>,
      %get3A_606 = vector.shape_cast %get3A_605 : vector<16xi32> to vector<16xi32>
      %get3A_607 = arith.index_cast %mul3A_603 : i32 to index
      %get3A_608 = tpu.vector_load %arg7[%get3A_607] {strides = array<i32>} : memref<3328xi32, #tpu.memory_space<vmem>>, vector<16xi32>,
      %get3A_609 = vector.shape_cast %get3A_608 : vector<16xi32> to vector<16xi32>
      %add3A_610 = arith.addi %get3A_606, %get3A_609 : vector<16xi32>
      %swap3A_611 = arith.index_cast %mul3A_603 : i32 to index
      %swap3A_612 = tpu.vector_load %arg6[%swap3A_611] {strides = array<i32>} : memref<3328xi32, #tpu.memory_space<vmem>>, vector<16xi32>,
      %swap3A_613 = vector.shape_cast %swap3A_612 : vector<16xi32> to vector<16xi32>
      %swap3A_614 = vector.shape_cast %add3A_610 : vector<16xi32> to vector<16xi32>
      tpu.vector_store %arg6[%swap3A_611], %swap3A_614 {strides = array<i32>} : memref<3328xi32, #tpu.memory_space<vmem>>, vector<16xi32>,
    }
    %scan3A_7 = arith.constant 208 : i32
    %dma_start3A = arith.constant 0 : i32
    %dma_start3A_8 = arith.constant 0 : i32
    %dma_start3A_9 = tpu.memref_slice %arg8[%dma_start3A, %dma_start3A_8] : memref<832x64xf32, #tpu.memory_space<vmem>> -> memref<104x64xf32, #tpu.memory_space<vmem>>
    %dma_start3A_10 = arith.constant 0 : i32
    %dma_start3A_11 = tpu.memref_slice %arg6[%dma_start3A_10] : memref<3328xi32, #tpu.memory_space<vmem>> -> memref<104xi32, #tpu.memory_space<vmem>>
    %dma_start3A_12 = arith.constant 0 : i32
    %dma_start3A_13 = arith.constant 0 : i32
    %dma_start3A_14 = tpu.memref_slice %arg2[%dma_start3A_12, %dma_start3A_13] : memref<2600000x64xf32, #tpu.memory_space<hbm>> -> memref<2600000x64xf32, #tpu.memory_space<hbm>>
    tpu.enqueue_indirect_dma source(%dma_start3A_14 : memref<2600000x64xf32, #tpu.memory_space<hbm>>) target(%dma_start3A_9 : memref<104x64xf32, #tpu.memory_space<vmem>>) offsets(%dma_start3A_11 : memref<104xi32, #tpu.memory_space<vmem>>) semaphore(%arg10 : memref<!tpu.dma_semaphore, #tpu.memory_space<semaphore_mem>>)
    %dma_start3A_15 = arith.constant 104 : i32
    %dma_start3A_16 = arith.constant 0 : i32
    %dma_start3A_17 = tpu.memref_slice %arg8[%dma_start3A_15, %dma_start3A_16] : memref<832x64xf32, #tpu.memory_space<vmem>> -> memref<104x64xf32, #tpu.memory_space<vmem>>
    %dma_start3A_18 = arith.constant 104 : i32
    %dma_start3A_19 = tpu.memref_slice %arg6[%dma_start3A_18] : memref<3328xi32, #tpu.memory_space<vmem>> -> memref<104xi32, #tpu.memory_space<vmem>>
    %dma_start3A_20 = arith.constant 0 : i32
    %dma_start3A_21 = arith.constant 0 : i32
    %dma_start3A_22 = tpu.memref_slice %arg2[%dma_start3A_20, %dma_start3A_21] : memref<2600000x64xf32, #tpu.memory_space<hbm>> -> memref<2600000x64xf32, #tpu.memory_space<hbm>>
    tpu.enqueue_indirect_dma source(%dma_start3A_22 : memref<2600000x64xf32, #tpu.memory_space<hbm>>) target(%dma_start3A_17 : memref<104x64xf32, #tpu.memory_space<vmem>>) offsets(%dma_start3A_19 : memref<104xi32, #tpu.memory_space<vmem>>) semaphore(%arg10 : memref<!tpu.dma_semaphore, #tpu.memory_space<semaphore_mem>>)
    %dma_start3A_23 = arith.constant 208 : i32
    %dma_start3A_24 = arith.constant 0 : i32
    %dma_start3A_25 = tpu.memref_slice %arg8[%dma_start3A_23, %dma_start3A_24] : memref<832x64xf32, #tpu.memory_space<vmem>> -> memref<104x64xf32, #tpu.memory_space<vmem>>
    %dma_start3A_26 = arith.constant 208 : i32
    %dma_start3A_27 = tpu.memref_slice %arg6[%dma_start3A_26] : memref<3328xi32, #tpu.memory_space<vmem>> -> memref<104xi32, #tpu.memory_space<vmem>>
    %dma_start3A_28 = arith.constant 0 : i32
    %dma_start3A_29 = arith.constant 0 : i32
    %dma_start3A_30 = tpu.memref_slice %arg2[%dma_start3A_28, %dma_start3A_29] : memref<2600000x64xf32, #tpu.memory_space<hbm>> -> memref<2600000x64xf32, #tpu.memory_space<hbm>>
    tpu.enqueue_indirect_dma source(%dma_start3A_30 : memref<2600000x64xf32, #tpu.memory_space<hbm>>) target(%dma_start3A_25 : memref<104x64xf32, #tpu.memory_space<vmem>>) offsets(%dma_start3A_27 : memref<104xi32, #tpu.memory_space<vmem>>) semaphore(%arg10 : memref<!tpu.dma_semaphore, #tpu.memory_space<semaphore_mem>>)
    %dma_start3A_31 = arith.constant 312 : i32
    %dma_start3A_32 = arith.constant 0 : i32
    %dma_start3A_33 = tpu.memref_slice %arg8[%dma_start3A_31, %dma_start3A_32] : memref<832x64xf32, #tpu.memory_space<vmem>> -> memref<104x64xf32, #tpu.memory_space<vmem>>
    %dma_start3A_34 = arith.constant 312 : i32
    %dma_start3A_35 = tpu.memref_slice %arg6[%dma_start3A_34] : memref<3328xi32, #tpu.memory_space<vmem>> -> memref<104xi32, #tpu.memory_space<vmem>>
    %dma_start3A_36 = arith.constant 0 : i32
    %dma_start3A_37 = arith.constant 0 : i32
    %dma_start3A_38 = tpu.memref_slice %arg2[%dma_start3A_36, %dma_start3A_37] : memref<2600000x64xf32, #tpu.memory_space<hbm>> -> memref<2600000x64xf32, #tpu.memory_space<hbm>>
    tpu.enqueue_indirect_dma source(%dma_start3A_38 : memref<2600000x64xf32, #tpu.memory_space<hbm>>) target(%dma_start3A_33 : memref<104x64xf32, #tpu.memory_space<vmem>>) offsets(%dma_start3A_35 : memref<104xi32, #tpu.memory_space<vmem>>) semaphore(%arg10 : memref<!tpu.dma_semaphore, #tpu.memory_space<semaphore_mem>>)
    %dma_start3A_39 = arith.constant 416 : i32
    %dma_start3A_40 = arith.constant 0 : i32
    %dma_start3A_41 = tpu.memref_slice %arg8[%dma_start3A_39, %dma_start3A_40] : memref<832x64xf32, #tpu.memory_space<vmem>> -> memref<104x64xf32, #tpu.memory_space<vmem>>
    %dma_start3A_42 = arith.constant 416 : i32
    %dma_start3A_43 = tpu.memref_slice %arg6[%dma_start3A_42] : memref<3328xi32, #tpu.memory_space<vmem>> -> memref<104xi32, #tpu.memory_space<vmem>>
    %dma_start3A_44 = arith.constant 0 : i32
    %dma_start3A_45 = arith.constant 0 : i32
    %dma_start3A_46 = tpu.memref_slice %arg2[%dma_start3A_44, %dma_start3A_45] : memref<2600000x64xf32, #tpu.memory_space<hbm>> -> memref<2600000x64xf32, #tpu.memory_space<hbm>>
    tpu.enqueue_indirect_dma source(%dma_start3A_46 : memref<2600000x64xf32, #tpu.memory_space<hbm>>) target(%dma_start3A_41 : memref<104x64xf32, #tpu.memory_space<vmem>>) offsets(%dma_start3A_43 : memref<104xi32, #tpu.memory_space<vmem>>) semaphore(%arg10 : memref<!tpu.dma_semaphore, #tpu.memory_space<semaphore_mem>>)
    %dma_start3A_47 = arith.constant 520 : i32
    %dma_start3A_48 = arith.constant 0 : i32
    %dma_start3A_49 = tpu.memref_slice %arg8[%dma_start3A_47, %dma_start3A_48] : memref<832x64xf32, #tpu.memory_space<vmem>> -> memref<104x64xf32, #tpu.memory_space<vmem>>
    %dma_start3A_50 = arith.constant 520 : i32
    %dma_start3A_51 = tpu.memref_slice %arg6[%dma_start3A_50] : memref<3328xi32, #tpu.memory_space<vmem>> -> memref<104xi32, #tpu.memory_space<vmem>>
    %dma_start3A_52 = arith.constant 0 : i32
    %dma_start3A_53 = arith.constant 0 : i32
    %dma_start3A_54 = tpu.memref_slice %arg2[%dma_start3A_52, %dma_start3A_53] : memref<2600000x64xf32, #tpu.memory_space<hbm>> -> memref<2600000x64xf32, #tpu.memory_space<hbm>>
    tpu.enqueue_indirect_dma source(%dma_start3A_54 : memref<2600000x64xf32, #tpu.memory_space<hbm>>) target(%dma_start3A_49 : memref<104x64xf32, #tpu.memory_space<vmem>>) offsets(%dma_start3A_51 : memref<104xi32, #tpu.memory_space<vmem>>) semaphore(%arg10 : memref<!tpu.dma_semaphore, #tpu.memory_space<semaphore_mem>>)
    %dma_start3A_55 = arith.constant 624 : i32
    %dma_start3A_56 = arith.constant 0 : i32
    %dma_start3A_57 = tpu.memref_slice %arg8[%dma_start3A_55, %dma_start3A_56] : memref<832x64xf32, #tpu.memory_space<vmem>> -> memref<104x64xf32, #tpu.memory_space<vmem>>
    %dma_start3A_58 = arith.constant 624 : i32
    %dma_start3A_59 = tpu.memref_slice %arg6[%dma_start3A_58] : memref<3328xi32, #tpu.memory_space<vmem>> -> memref<104xi32, #tpu.memory_space<vmem>>
    %dma_start3A_60 = arith.constant 0 : i32
    %dma_start3A_61 = arith.constant 0 : i32
    %dma_start3A_62 = tpu.memref_slice %arg2[%dma_start3A_60, %dma_start3A_61] : memref<2600000x64xf32, #tpu.memory_space<hbm>> -> memref<2600000x64xf32, #tpu.memory_space<hbm>>
    tpu.enqueue_indirect_dma source(%dma_start3A_62 : memref<2600000x64xf32, #tpu.memory_space<hbm>>) target(%dma_start3A_57 : memref<104x64xf32, #tpu.memory_space<vmem>>) offsets(%dma_start3A_59 : memref<104xi32, #tpu.memory_space<vmem>>) semaphore(%arg10 : memref<!tpu.dma_semaphore, #tpu.memory_space<semaphore_mem>>)
    %dma_start3A_63 = arith.constant 728 : i32
    %dma_start3A_64 = arith.constant 0 : i32
    %dma_start3A_65 = tpu.memref_slice %arg8[%dma_start3A_63, %dma_start3A_64] : memref<832x64xf32, #tpu.memory_space<vmem>> -> memref<104x64xf32, #tpu.memory_space<vmem>>
    %dma_start3A_66 = arith.constant 728 : i32
    %dma_start3A_67 = tpu.memref_slice %arg6[%dma_start3A_66] : memref<3328xi32, #tpu.memory_space<vmem>> -> memref<104xi32, #tpu.memory_space<vmem>>
    %dma_start3A_68 = arith.constant 0 : i32
    %dma_start3A_69 = arith.constant 0 : i32
    %dma_start3A_70 = tpu.memref_slice %arg2[%dma_start3A_68, %dma_start3A_69] : memref<2600000x64xf32, #tpu.memory_space<hbm>> -> memref<2600000x64xf32, #tpu.memory_space<hbm>>
    tpu.enqueue_indirect_dma source(%dma_start3A_70 : memref<2600000x64xf32, #tpu.memory_space<hbm>>) target(%dma_start3A_65 : memref<104x64xf32, #tpu.memory_space<vmem>>) offsets(%dma_start3A_67 : memref<104xi32, #tpu.memory_space<vmem>>) semaphore(%arg10 : memref<!tpu.dma_semaphore, #tpu.memory_space<semaphore_mem>>)
    %dma_start3A_71 = arith.constant 0 : i32
    %dma_start3A_72 = arith.constant 0 : i32
    %dma_start3A_73 = tpu.memref_slice %arg9[%dma_start3A_71, %dma_start3A_72] : memref<832x64xf32, #tpu.memory_space<vmem>> -> memref<104x64xf32, #tpu.memory_space<vmem>>
    %dma_start3A_74 = arith.constant 832 : i32
    %dma_start3A_75 = tpu.memref_slice %arg6[%dma_start3A_74] : memref<3328xi32, #tpu.memory_space<vmem>> -> memref<104xi32, #tpu.memory_space<vmem>>
    %dma_start3A_76 = arith.constant 0 : i32
    %dma_start3A_77 = arith.constant 0 : i32
    %dma_start3A_78 = tpu.memref_slice %arg2[%dma_start3A_76, %dma_start3A_77] : memref<2600000x64xf32, #tpu.memory_space<hbm>> -> memref<2600000x64xf32, #tpu.memory_space<hbm>>
    tpu.enqueue_indirect_dma source(%dma_start3A_78 : memref<2600000x64xf32, #tpu.memory_space<hbm>>) target(%dma_start3A_73 : memref<104x64xf32, #tpu.memory_space<vmem>>) offsets(%dma_start3A_75 : memref<104xi32, #tpu.memory_space<vmem>>) semaphore(%arg11 : memref<!tpu.dma_semaphore, #tpu.memory_space<semaphore_mem>>)
    %dma_start3A_79 = arith.constant 104 : i32
    %dma_start3A_80 = arith.constant 0 : i32
    %dma_start3A_81 = tpu.memref_slice %arg9[%dma_start3A_79, %dma_start3A_80] : memref<832x64xf32, #tpu.memory_space<vmem>> -> memref<104x64xf32, #tpu.memory_space<vmem>>
    %dma_start3A_82 = arith.constant 936 : i32
    %dma_start3A_83 = tpu.memref_slice %arg6[%dma_start3A_82] : memref<3328xi32, #tpu.memory_space<vmem>> -> memref<104xi32, #tpu.memory_space<vmem>>
    %dma_start3A_84 = arith.constant 0 : i32
    %dma_start3A_85 = arith.constant 0 : i32
    %dma_start3A_86 = tpu.memref_slice %arg2[%dma_start3A_84, %dma_start3A_85] : memref<2600000x64xf32, #tpu.memory_space<hbm>> -> memref<2600000x64xf32, #tpu.memory_space<hbm>>
    tpu.enqueue_indirect_dma source(%dma_start3A_86 : memref<2600000x64xf32, #tpu.memory_space<hbm>>) target(%dma_start3A_81 : memref<104x64xf32, #tpu.memory_space<vmem>>) offsets(%dma_start3A_83 : memref<104xi32, #tpu.memory_space<vmem>>) semaphore(%arg11 : memref<!tpu.dma_semaphore, #tpu.memory_space<semaphore_mem>>)
    %dma_start3A_87 = arith.constant 208 : i32
    %dma_start3A_88 = arith.constant 0 : i32
    %dma_start3A_89 = tpu.memref_slice %arg9[%dma_start3A_87, %dma_start3A_88] : memref<832x64xf32, #tpu.memory_space<vmem>> -> memref<104x64xf32, #tpu.memory_space<vmem>>
    %dma_start3A_90 = arith.constant 1040 : i32
    %dma_start3A_91 = tpu.memref_slice %arg6[%dma_start3A_90] : memref<3328xi32, #tpu.memory_space<vmem>> -> memref<104xi32, #tpu.memory_space<vmem>>
    %dma_start3A_92 = arith.constant 0 : i32
    %dma_start3A_93 = arith.constant 0 : i32
    %dma_start3A_94 = tpu.memref_slice %arg2[%dma_start3A_92, %dma_start3A_93] : memref<2600000x64xf32, #tpu.memory_space<hbm>> -> memref<2600000x64xf32, #tpu.memory_space<hbm>>
    tpu.enqueue_indirect_dma source(%dma_start3A_94 : memref<2600000x64xf32, #tpu.memory_space<hbm>>) target(%dma_start3A_89 : memref<104x64xf32, #tpu.memory_space<vmem>>) offsets(%dma_start3A_91 : memref<104xi32, #tpu.memory_space<vmem>>) semaphore(%arg11 : memref<!tpu.dma_semaphore, #tpu.memory_space<semaphore_mem>>)
    %dma_start3A_95 = arith.constant 312 : i32
    %dma_start3A_96 = arith.constant 0 : i32
    %dma_start3A_97 = tpu.memref_slice %arg9[%dma_start3A_95, %dma_start3A_96] : memref<832x64xf32, #tpu.memory_space<vmem>> -> memref<104x64xf32, #tpu.memory_space<vmem>>
    %dma_start3A_98 = arith.constant 1144 : i32
    %dma_start3A_99 = tpu.memref_slice %arg6[%dma_start3A_98] : memref<3328xi32, #tpu.memory_space<vmem>> -> memref<104xi32, #tpu.memory_space<vmem>>
    %dma_start3A_100 = arith.constant 0 : i32
    %dma_start3A_101 = arith.constant 0 : i32
    %dma_start3A_102 = tpu.memref_slice %arg2[%dma_start3A_100, %dma_start3A_101] : memref<2600000x64xf32, #tpu.memory_space<hbm>> -> memref<2600000x64xf32, #tpu.memory_space<hbm>>
    tpu.enqueue_indirect_dma source(%dma_start3A_102 : memref<2600000x64xf32, #tpu.memory_space<hbm>>) target(%dma_start3A_97 : memref<104x64xf32, #tpu.memory_space<vmem>>) offsets(%dma_start3A_99 : memref<104xi32, #tpu.memory_space<vmem>>) semaphore(%arg11 : memref<!tpu.dma_semaphore, #tpu.memory_space<semaphore_mem>>)
    %dma_start3A_103 = arith.constant 416 : i32
    %dma_start3A_104 = arith.constant 0 : i32
    %dma_start3A_105 = tpu.memref_slice %arg9[%dma_start3A_103, %dma_start3A_104] : memref<832x64xf32, #tpu.memory_space<vmem>> -> memref<104x64xf32, #tpu.memory_space<vmem>>
    %dma_start3A_106 = arith.constant 1248 : i32
    %dma_start3A_107 = tpu.memref_slice %arg6[%dma_start3A_106] : memref<3328xi32, #tpu.memory_space<vmem>> -> memref<104xi32, #tpu.memory_space<vmem>>
    %dma_start3A_108 = arith.constant 0 : i32
    %dma_start3A_109 = arith.constant 0 : i32
    %dma_start3A_110 = tpu.memref_slice %arg2[%dma_start3A_108, %dma_start3A_109] : memref<2600000x64xf32, #tpu.memory_space<hbm>> -> memref<2600000x64xf32, #tpu.memory_space<hbm>>
    tpu.enqueue_indirect_dma source(%dma_start3A_110 : memref<2600000x64xf32, #tpu.memory_space<hbm>>) target(%dma_start3A_105 : memref<104x64xf32, #tpu.memory_space<vmem>>) offsets(%dma_start3A_107 : memref<104xi32, #tpu.memory_space<vmem>>) semaphore(%arg11 : memref<!tpu.dma_semaphore, #tpu.memory_space<semaphore_mem>>)
    %dma_start3A_111 = arith.constant 520 : i32
    %dma_start3A_112 = arith.constant 0 : i32
    %dma_start3A_113 = tpu.memref_slice %arg9[%dma_start3A_111, %dma_start3A_112] : memref<832x64xf32, #tpu.memory_space<vmem>> -> memref<104x64xf32, #tpu.memory_space<vmem>>
    %dma_start3A_114 = arith.constant 1352 : i32
    %dma_start3A_115 = tpu.memref_slice %arg6[%dma_start3A_114] : memref<3328xi32, #tpu.memory_space<vmem>> -> memref<104xi32, #tpu.memory_space<vmem>>
    %dma_start3A_116 = arith.constant 0 : i32
    %dma_start3A_117 = arith.constant 0 : i32
    %dma_start3A_118 = tpu.memref_slice %arg2[%dma_start3A_116, %dma_start3A_117] : memref<2600000x64xf32, #tpu.memory_space<hbm>> -> memref<2600000x64xf32, #tpu.memory_space<hbm>>
    tpu.enqueue_indirect_dma source(%dma_start3A_118 : memref<2600000x64xf32, #tpu.memory_space<hbm>>) target(%dma_start3A_113 : memref<104x64xf32, #tpu.memory_space<vmem>>) offsets(%dma_start3A_115 : memref<104xi32, #tpu.memory_space<vmem>>) semaphore(%arg11 : memref<!tpu.dma_semaphore, #tpu.memory_space<semaphore_mem>>)
    %dma_start3A_119 = arith.constant 624 : i32
    %dma_start3A_120 = arith.constant 0 : i32
    %dma_start3A_121 = tpu.memref_slice %arg9[%dma_start3A_119, %dma_start3A_120] : memref<832x64xf32, #tpu.memory_space<vmem>> -> memref<104x64xf32, #tpu.memory_space<vmem>>
    %dma_start3A_122 = arith.constant 1456 : i32
    %dma_start3A_123 = tpu.memref_slice %arg6[%dma_start3A_122] : memref<3328xi32, #tpu.memory_space<vmem>> -> memref<104xi32, #tpu.memory_space<vmem>>
    %dma_start3A_124 = arith.constant 0 : i32
    %dma_start3A_125 = arith.constant 0 : i32
    %dma_start3A_126 = tpu.memref_slice %arg2[%dma_start3A_124, %dma_start3A_125] : memref<2600000x64xf32, #tpu.memory_space<hbm>> -> memref<2600000x64xf32, #tpu.memory_space<hbm>>
    tpu.enqueue_indirect_dma source(%dma_start3A_126 : memref<2600000x64xf32, #tpu.memory_space<hbm>>) target(%dma_start3A_121 : memref<104x64xf32, #tpu.memory_space<vmem>>) offsets(%dma_start3A_123 : memref<104xi32, #tpu.memory_space<vmem>>) semaphore(%arg11 : memref<!tpu.dma_semaphore, #tpu.memory_space<semaphore_mem>>)
    %dma_start3A_127 = arith.constant 728 : i32
    %dma_start3A_128 = arith.constant 0 : i32
    %dma_start3A_129 = tpu.memref_slice %arg9[%dma_start3A_127, %dma_start3A_128] : memref<832x64xf32, #tpu.memory_space<vmem>> -> memref<104x64xf32, #tpu.memory_space<vmem>>
    %dma_start3A_130 = arith.constant 1560 : i32
    %dma_start3A_131 = tpu.memref_slice %arg6[%dma_start3A_130] : memref<3328xi32, #tpu.memory_space<vmem>> -> memref<104xi32, #tpu.memory_space<vmem>>
    %dma_start3A_132 = arith.constant 0 : i32
    %dma_start3A_133 = arith.constant 0 : i32
    %dma_start3A_134 = tpu.memref_slice %arg2[%dma_start3A_132, %dma_start3A_133] : memref<2600000x64xf32, #tpu.memory_space<hbm>> -> memref<2600000x64xf32, #tpu.memory_space<hbm>>
    tpu.enqueue_indirect_dma source(%dma_start3A_134 : memref<2600000x64xf32, #tpu.memory_space<hbm>>) target(%dma_start3A_129 : memref<104x64xf32, #tpu.memory_space<vmem>>) offsets(%dma_start3A_131 : memref<104xi32, #tpu.memory_space<vmem>>) semaphore(%arg11 : memref<!tpu.dma_semaphore, #tpu.memory_space<semaphore_mem>>)
    %dma_wait3A = arith.constant 0 : i32
    %dma_wait3A_135 = arith.constant 0 : i32
    %dma_wait3A_136 = tpu.memref_slice %arg8[%dma_wait3A, %dma_wait3A_135] : memref<832x64xf32, #tpu.memory_space<vmem>> -> memref<104x64xf32, #tpu.memory_space<vmem>>
    %dma_wait3A_137 = arith.constant 0 : i32
    %dma_wait3A_138 = tpu.memref_slice %arg6[%dma_wait3A_137] : memref<3328xi32, #tpu.memory_space<vmem>> -> memref<104xi32, #tpu.memory_space<vmem>>
    %dma_wait3A_139 = arith.constant 0 : i32
    %dma_wait3A_140 = arith.constant 0 : i32
    %dma_wait3A_141 = tpu.memref_slice %arg2[%dma_wait3A_139, %dma_wait3A_140] : memref<2600000x64xf32, #tpu.memory_space<hbm>> -> memref<2600000x64xf32, #tpu.memory_space<hbm>>
    tpu.wait_indirect_dma semaphore(%arg10 : memref<!tpu.dma_semaphore, #tpu.memory_space<semaphore_mem>>) src(%dma_wait3A_141 : memref<2600000x64xf32, #tpu.memory_space<hbm>>) dst(%dma_wait3A_136 : memref<104x64xf32, #tpu.memory_space<vmem>>)
    %dma_wait3A_142 = arith.constant 104 : i32
    %dma_wait3A_143 = arith.constant 0 : i32
    %dma_wait3A_144 = tpu.memref_slice %arg8[%dma_wait3A_142, %dma_wait3A_143] : memref<832x64xf32, #tpu.memory_space<vmem>> -> memref<104x64xf32, #tpu.memory_space<vmem>>
    %dma_wait3A_145 = arith.constant 104 : i32
    %dma_wait3A_146 = tpu.memref_slice %arg6[%dma_wait3A_145] : memref<3328xi32, #tpu.memory_space<vmem>> -> memref<104xi32, #tpu.memory_space<vmem>>
    %dma_wait3A_147 = arith.constant 0 : i32
    %dma_wait3A_148 = arith.constant 0 : i32
    %dma_wait3A_149 = tpu.memref_slice %arg2[%dma_wait3A_147, %dma_wait3A_148] : memref<2600000x64xf32, #tpu.memory_space<hbm>> -> memref<2600000x64xf32, #tpu.memory_space<hbm>>
    tpu.wait_indirect_dma semaphore(%arg10 : memref<!tpu.dma_semaphore, #tpu.memory_space<semaphore_mem>>) src(%dma_wait3A_149 : memref<2600000x64xf32, #tpu.memory_space<hbm>>) dst(%dma_wait3A_144 : memref<104x64xf32, #tpu.memory_space<vmem>>)
    %dma_wait3A_150 = arith.constant 208 : i32
    %dma_wait3A_151 = arith.constant 0 : i32
    %dma_wait3A_152 = tpu.memref_slice %arg8[%dma_wait3A_150, %dma_wait3A_151] : memref<832x64xf32, #tpu.memory_space<vmem>> -> memref<104x64xf32, #tpu.memory_space<vmem>>
    %dma_wait3A_153 = arith.constant 208 : i32
    %dma_wait3A_154 = tpu.memref_slice %arg6[%dma_wait3A_153] : memref<3328xi32, #tpu.memory_space<vmem>> -> memref<104xi32, #tpu.memory_space<vmem>>
    %dma_wait3A_155 = arith.constant 0 : i32
    %dma_wait3A_156 = arith.constant 0 : i32
    %dma_wait3A_157 = tpu.memref_slice %arg2[%dma_wait3A_155, %dma_wait3A_156] : memref<2600000x64xf32, #tpu.memory_space<hbm>> -> memref<2600000x64xf32, #tpu.memory_space<hbm>>
    tpu.wait_indirect_dma semaphore(%arg10 : memref<!tpu.dma_semaphore, #tpu.memory_space<semaphore_mem>>) src(%dma_wait3A_157 : memref<2600000x64xf32, #tpu.memory_space<hbm>>) dst(%dma_wait3A_152 : memref<104x64xf32, #tpu.memory_space<vmem>>)
    %dma_wait3A_158 = arith.constant 312 : i32
    %dma_wait3A_159 = arith.constant 0 : i32
    %dma_wait3A_160 = tpu.memref_slice %arg8[%dma_wait3A_158, %dma_wait3A_159] : memref<832x64xf32, #tpu.memory_space<vmem>> -> memref<104x64xf32, #tpu.memory_space<vmem>>
    %dma_wait3A_161 = arith.constant 312 : i32
    %dma_wait3A_162 = tpu.memref_slice %arg6[%dma_wait3A_161] : memref<3328xi32, #tpu.memory_space<vmem>> -> memref<104xi32, #tpu.memory_space<vmem>>
    %dma_wait3A_163 = arith.constant 0 : i32
    %dma_wait3A_164 = arith.constant 0 : i32
    %dma_wait3A_165 = tpu.memref_slice %arg2[%dma_wait3A_163, %dma_wait3A_164] : memref<2600000x64xf32, #tpu.memory_space<hbm>> -> memref<2600000x64xf32, #tpu.memory_space<hbm>>
    tpu.wait_indirect_dma semaphore(%arg10 : memref<!tpu.dma_semaphore, #tpu.memory_space<semaphore_mem>>) src(%dma_wait3A_165 : memref<2600000x64xf32, #tpu.memory_space<hbm>>) dst(%dma_wait3A_160 : memref<104x64xf32, #tpu.memory_space<vmem>>)
    %dma_wait3A_166 = arith.constant 416 : i32
    %dma_wait3A_167 = arith.constant 0 : i32
    %dma_wait3A_168 = tpu.memref_slice %arg8[%dma_wait3A_166, %dma_wait3A_167] : memref<832x64xf32, #tpu.memory_space<vmem>> -> memref<104x64xf32, #tpu.memory_space<vmem>>
    %dma_wait3A_169 = arith.constant 416 : i32
    %dma_wait3A_170 = tpu.memref_slice %arg6[%dma_wait3A_169] : memref<3328xi32, #tpu.memory_space<vmem>> -> memref<104xi32, #tpu.memory_space<vmem>>
    %dma_wait3A_171 = arith.constant 0 : i32
    %dma_wait3A_172 = arith.constant 0 : i32
    %dma_wait3A_173 = tpu.memref_slice %arg2[%dma_wait3A_171, %dma_wait3A_172] : memref<2600000x64xf32, #tpu.memory_space<hbm>> -> memref<2600000x64xf32, #tpu.memory_space<hbm>>
    tpu.wait_indirect_dma semaphore(%arg10 : memref<!tpu.dma_semaphore, #tpu.memory_space<semaphore_mem>>) src(%dma_wait3A_173 : memref<2600000x64xf32, #tpu.memory_space<hbm>>) dst(%dma_wait3A_168 : memref<104x64xf32, #tpu.memory_space<vmem>>)
    %dma_wait3A_174 = arith.constant 520 : i32
    %dma_wait3A_175 = arith.constant 0 : i32
    %dma_wait3A_176 = tpu.memref_slice %arg8[%dma_wait3A_174, %dma_wait3A_175] : memref<832x64xf32, #tpu.memory_space<vmem>> -> memref<104x64xf32, #tpu.memory_space<vmem>>
    %dma_wait3A_177 = arith.constant 520 : i32
    %dma_wait3A_178 = tpu.memref_slice %arg6[%dma_wait3A_177] : memref<3328xi32, #tpu.memory_space<vmem>> -> memref<104xi32, #tpu.memory_space<vmem>>
    %dma_wait3A_179 = arith.constant 0 : i32
    %dma_wait3A_180 = arith.constant 0 : i32
    %dma_wait3A_181 = tpu.memref_slice %arg2[%dma_wait3A_179, %dma_wait3A_180] : memref<2600000x64xf32, #tpu.memory_space<hbm>> -> memref<2600000x64xf32, #tpu.memory_space<hbm>>
    tpu.wait_indirect_dma semaphore(%arg10 : memref<!tpu.dma_semaphore, #tpu.memory_space<semaphore_mem>>) src(%dma_wait3A_181 : memref<2600000x64xf32, #tpu.memory_space<hbm>>) dst(%dma_wait3A_176 : memref<104x64xf32, #tpu.memory_space<vmem>>)
    %dma_wait3A_182 = arith.constant 624 : i32
    %dma_wait3A_183 = arith.constant 0 : i32
    %dma_wait3A_184 = tpu.memref_slice %arg8[%dma_wait3A_182, %dma_wait3A_183] : memref<832x64xf32, #tpu.memory_space<vmem>> -> memref<104x64xf32, #tpu.memory_space<vmem>>
    %dma_wait3A_185 = arith.constant 624 : i32
    %dma_wait3A_186 = tpu.memref_slice %arg6[%dma_wait3A_185] : memref<3328xi32, #tpu.memory_space<vmem>> -> memref<104xi32, #tpu.memory_space<vmem>>
    %dma_wait3A_187 = arith.constant 0 : i32
    %dma_wait3A_188 = arith.constant 0 : i32
    %dma_wait3A_189 = tpu.memref_slice %arg2[%dma_wait3A_187, %dma_wait3A_188] : memref<2600000x64xf32, #tpu.memory_space<hbm>> -> memref<2600000x64xf32, #tpu.memory_space<hbm>>
    tpu.wait_indirect_dma semaphore(%arg10 : memref<!tpu.dma_semaphore, #tpu.memory_space<semaphore_mem>>) src(%dma_wait3A_189 : memref<2600000x64xf32, #tpu.memory_space<hbm>>) dst(%dma_wait3A_184 : memref<104x64xf32, #tpu.memory_space<vmem>>)
    %dma_wait3A_190 = arith.constant 728 : i32
    %dma_wait3A_191 = arith.constant 0 : i32
    %dma_wait3A_192 = tpu.memref_slice %arg8[%dma_wait3A_190, %dma_wait3A_191] : memref<832x64xf32, #tpu.memory_space<vmem>> -> memref<104x64xf32, #tpu.memory_space<vmem>>
    %dma_wait3A_193 = arith.constant 728 : i32
    %dma_wait3A_194 = tpu.memref_slice %arg6[%dma_wait3A_193] : memref<3328xi32, #tpu.memory_space<vmem>> -> memref<104xi32, #tpu.memory_space<vmem>>
    %dma_wait3A_195 = arith.constant 0 : i32
    %dma_wait3A_196 = arith.constant 0 : i32
    %dma_wait3A_197 = tpu.memref_slice %arg2[%dma_wait3A_195, %dma_wait3A_196] : memref<2600000x64xf32, #tpu.memory_space<hbm>> -> memref<2600000x64xf32, #tpu.memory_space<hbm>>
    tpu.wait_indirect_dma semaphore(%arg10 : memref<!tpu.dma_semaphore, #tpu.memory_space<semaphore_mem>>) src(%dma_wait3A_197 : memref<2600000x64xf32, #tpu.memory_space<hbm>>) dst(%dma_wait3A_192 : memref<104x64xf32, #tpu.memory_space<vmem>>)
    %add3A_198 = arith.constant 0 : i32
    %add3A_199 = arith.addi %mul3A_2, %add3A_198 : i32
    %dma_start3A_200 = arith.constant 0 : i32
    %dma_start3A_201 = tpu.memref_slice %arg5[%add3A_199, %dma_start3A_200] : memref<106496x64xf32, #tpu.memory_space<hbm>> -> memref<832x64xf32, #tpu.memory_space<hbm>>
    %dma_start3A_202 = arith.constant 0 : i32
    %dma_start3A_203 = tpu.memref_slice %arg5[%add3A_199, %dma_start3A_202] : memref<106496x64xf32, #tpu.memory_space<hbm>> -> memref<832x64xf32, #tpu.memory_space<hbm>>
    tpu.enqueue_dma source(%arg8 : memref<832x64xf32, #tpu.memory_space<vmem>>) target(%dma_start3A_203 : memref<832x64xf32, #tpu.memory_space<hbm>>) target_semaphore(%arg12 : memref<!tpu.dma_semaphore, #tpu.memory_space<semaphore_mem>>)
    %dma_wait3A_204 = arith.constant 0 : i32
    %dma_wait3A_205 = arith.constant 0 : i32
    %dma_wait3A_206 = tpu.memref_slice %arg9[%dma_wait3A_204, %dma_wait3A_205] : memref<832x64xf32, #tpu.memory_space<vmem>> -> memref<104x64xf32, #tpu.memory_space<vmem>>
    %dma_wait3A_207 = arith.constant 832 : i32
    %dma_wait3A_208 = tpu.memref_slice %arg6[%dma_wait3A_207] : memref<3328xi32, #tpu.memory_space<vmem>> -> memref<104xi32, #tpu.memory_space<vmem>>
    %dma_wait3A_209 = arith.constant 0 : i32
    %dma_wait3A_210 = arith.constant 0 : i32
    %dma_wait3A_211 = tpu.memref_slice %arg2[%dma_wait3A_209, %dma_wait3A_210] : memref<2600000x64xf32, #tpu.memory_space<hbm>> -> memref<2600000x64xf32, #tpu.memory_space<hbm>>
    tpu.wait_indirect_dma semaphore(%arg11 : memref<!tpu.dma_semaphore, #tpu.memory_space<semaphore_mem>>) src(%dma_wait3A_211 : memref<2600000x64xf32, #tpu.memory_space<hbm>>) dst(%dma_wait3A_206 : memref<104x64xf32, #tpu.memory_space<vmem>>)
    %dma_wait3A_212 = arith.constant 104 : i32
    %dma_wait3A_213 = arith.constant 0 : i32
    %dma_wait3A_214 = tpu.memref_slice %arg9[%dma_wait3A_212, %dma_wait3A_213] : memref<832x64xf32, #tpu.memory_space<vmem>> -> memref<104x64xf32, #tpu.memory_space<vmem>>
    %dma_wait3A_215 = arith.constant 936 : i32
    %dma_wait3A_216 = tpu.memref_slice %arg6[%dma_wait3A_215] : memref<3328xi32, #tpu.memory_space<vmem>> -> memref<104xi32, #tpu.memory_space<vmem>>
    %dma_wait3A_217 = arith.constant 0 : i32
    %dma_wait3A_218 = arith.constant 0 : i32
    %dma_wait3A_219 = tpu.memref_slice %arg2[%dma_wait3A_217, %dma_wait3A_218] : memref<2600000x64xf32, #tpu.memory_space<hbm>> -> memref<2600000x64xf32, #tpu.memory_space<hbm>>
    tpu.wait_indirect_dma semaphore(%arg11 : memref<!tpu.dma_semaphore, #tpu.memory_space<semaphore_mem>>) src(%dma_wait3A_219 : memref<2600000x64xf32, #tpu.memory_space<hbm>>) dst(%dma_wait3A_214 : memref<104x64xf32, #tpu.memory_space<vmem>>)
    %dma_wait3A_220 = arith.constant 208 : i32
    %dma_wait3A_221 = arith.constant 0 : i32
    %dma_wait3A_222 = tpu.memref_slice %arg9[%dma_wait3A_220, %dma_wait3A_221] : memref<832x64xf32, #tpu.memory_space<vmem>> -> memref<104x64xf32, #tpu.memory_space<vmem>>
    %dma_wait3A_223 = arith.constant 1040 : i32
    %dma_wait3A_224 = tpu.memref_slice %arg6[%dma_wait3A_223] : memref<3328xi32, #tpu.memory_space<vmem>> -> memref<104xi32, #tpu.memory_space<vmem>>
    %dma_wait3A_225 = arith.constant 0 : i32
    %dma_wait3A_226 = arith.constant 0 : i32
    %dma_wait3A_227 = tpu.memref_slice %arg2[%dma_wait3A_225, %dma_wait3A_226] : memref<2600000x64xf32, #tpu.memory_space<hbm>> -> memref<2600000x64xf32, #tpu.memory_space<hbm>>
    tpu.wait_indirect_dma semaphore(%arg11 : memref<!tpu.dma_semaphore, #tpu.memory_space<semaphore_mem>>) src(%dma_wait3A_227 : memref<2600000x64xf32, #tpu.memory_space<hbm>>) dst(%dma_wait3A_222 : memref<104x64xf32, #tpu.memory_space<vmem>>)
    %dma_wait3A_228 = arith.constant 312 : i32
    %dma_wait3A_229 = arith.constant 0 : i32
    %dma_wait3A_230 = tpu.memref_slice %arg9[%dma_wait3A_228, %dma_wait3A_229] : memref<832x64xf32, #tpu.memory_space<vmem>> -> memref<104x64xf32, #tpu.memory_space<vmem>>
    %dma_wait3A_231 = arith.constant 1144 : i32
    %dma_wait3A_232 = tpu.memref_slice %arg6[%dma_wait3A_231] : memref<3328xi32, #tpu.memory_space<vmem>> -> memref<104xi32, #tpu.memory_space<vmem>>
    %dma_wait3A_233 = arith.constant 0 : i32
    %dma_wait3A_234 = arith.constant 0 : i32
    %dma_wait3A_235 = tpu.memref_slice %arg2[%dma_wait3A_233, %dma_wait3A_234] : memref<2600000x64xf32, #tpu.memory_space<hbm>> -> memref<2600000x64xf32, #tpu.memory_space<hbm>>
    tpu.wait_indirect_dma semaphore(%arg11 : memref<!tpu.dma_semaphore, #tpu.memory_space<semaphore_mem>>) src(%dma_wait3A_235 : memref<2600000x64xf32, #tpu.memory_space<hbm>>) dst(%dma_wait3A_230 : memref<104x64xf32, #tpu.memory_space<vmem>>)
    %dma_wait3A_236 = arith.constant 416 : i32
    %dma_wait3A_237 = arith.constant 0 : i32
    %dma_wait3A_238 = tpu.memref_slice %arg9[%dma_wait3A_236, %dma_wait3A_237] : memref<832x64xf32, #tpu.memory_space<vmem>> -> memref<104x64xf32, #tpu.memory_space<vmem>>
    %dma_wait3A_239 = arith.constant 1248 : i32
    %dma_wait3A_240 = tpu.memref_slice %arg6[%dma_wait3A_239] : memref<3328xi32, #tpu.memory_space<vmem>> -> memref<104xi32, #tpu.memory_space<vmem>>
    %dma_wait3A_241 = arith.constant 0 : i32
    %dma_wait3A_242 = arith.constant 0 : i32
    %dma_wait3A_243 = tpu.memref_slice %arg2[%dma_wait3A_241, %dma_wait3A_242] : memref<2600000x64xf32, #tpu.memory_space<hbm>> -> memref<2600000x64xf32, #tpu.memory_space<hbm>>
    tpu.wait_indirect_dma semaphore(%arg11 : memref<!tpu.dma_semaphore, #tpu.memory_space<semaphore_mem>>) src(%dma_wait3A_243 : memref<2600000x64xf32, #tpu.memory_space<hbm>>) dst(%dma_wait3A_238 : memref<104x64xf32, #tpu.memory_space<vmem>>)
    %dma_wait3A_244 = arith.constant 520 : i32
    %dma_wait3A_245 = arith.constant 0 : i32
    %dma_wait3A_246 = tpu.memref_slice %arg9[%dma_wait3A_244, %dma_wait3A_245] : memref<832x64xf32, #tpu.memory_space<vmem>> -> memref<104x64xf32, #tpu.memory_space<vmem>>
    %dma_wait3A_247 = arith.constant 1352 : i32
    %dma_wait3A_248 = tpu.memref_slice %arg6[%dma_wait3A_247] : memref<3328xi32, #tpu.memory_space<vmem>> -> memref<104xi32, #tpu.memory_space<vmem>>
    %dma_wait3A_249 = arith.constant 0 : i32
    %dma_wait3A_250 = arith.constant 0 : i32
    %dma_wait3A_251 = tpu.memref_slice %arg2[%dma_wait3A_249, %dma_wait3A_250] : memref<2600000x64xf32, #tpu.memory_space<hbm>> -> memref<2600000x64xf32, #tpu.memory_space<hbm>>
    tpu.wait_indirect_dma semaphore(%arg11 : memref<!tpu.dma_semaphore, #tpu.memory_space<semaphore_mem>>) src(%dma_wait3A_251 : memref<2600000x64xf32, #tpu.memory_space<hbm>>) dst(%dma_wait3A_246 : memref<104x64xf32, #tpu.memory_space<vmem>>)
    %dma_wait3A_252 = arith.constant 624 : i32
    %dma_wait3A_253 = arith.constant 0 : i32
    %dma_wait3A_254 = tpu.memref_slice %arg9[%dma_wait3A_252, %dma_wait3A_253] : memref<832x64xf32, #tpu.memory_space<vmem>> -> memref<104x64xf32, #tpu.memory_space<vmem>>
    %dma_wait3A_255 = arith.constant 1456 : i32
    %dma_wait3A_256 = tpu.memref_slice %arg6[%dma_wait3A_255] : memref<3328xi32, #tpu.memory_space<vmem>> -> memref<104xi32, #tpu.memory_space<vmem>>
    %dma_wait3A_257 = arith.constant 0 : i32
    %dma_wait3A_258 = arith.constant 0 : i32
    %dma_wait3A_259 = tpu.memref_slice %arg2[%dma_wait3A_257, %dma_wait3A_258] : memref<2600000x64xf32, #tpu.memory_space<hbm>> -> memref<2600000x64xf32, #tpu.memory_space<hbm>>
    tpu.wait_indirect_dma semaphore(%arg11 : memref<!tpu.dma_semaphore, #tpu.memory_space<semaphore_mem>>) src(%dma_wait3A_259 : memref<2600000x64xf32, #tpu.memory_space<hbm>>) dst(%dma_wait3A_254 : memref<104x64xf32, #tpu.memory_space<vmem>>)
    %dma_wait3A_260 = arith.constant 728 : i32
    %dma_wait3A_261 = arith.constant 0 : i32
    %dma_wait3A_262 = tpu.memref_slice %arg9[%dma_wait3A_260, %dma_wait3A_261] : memref<832x64xf32, #tpu.memory_space<vmem>> -> memref<104x64xf32, #tpu.memory_space<vmem>>
    %dma_wait3A_263 = arith.constant 1560 : i32
    %dma_wait3A_264 = tpu.memref_slice %arg6[%dma_wait3A_263] : memref<3328xi32, #tpu.memory_space<vmem>> -> memref<104xi32, #tpu.memory_space<vmem>>
    %dma_wait3A_265 = arith.constant 0 : i32
    %dma_wait3A_266 = arith.constant 0 : i32
    %dma_wait3A_267 = tpu.memref_slice %arg2[%dma_wait3A_265, %dma_wait3A_266] : memref<2600000x64xf32, #tpu.memory_space<hbm>> -> memref<2600000x64xf32, #tpu.memory_space<hbm>>
    tpu.wait_indirect_dma semaphore(%arg11 : memref<!tpu.dma_semaphore, #tpu.memory_space<semaphore_mem>>) src(%dma_wait3A_267 : memref<2600000x64xf32, #tpu.memory_space<hbm>>) dst(%dma_wait3A_262 : memref<104x64xf32, #tpu.memory_space<vmem>>)
    %add3A_268 = arith.constant 832 : i32
    %add3A_269 = arith.addi %mul3A_2, %add3A_268 : i32
    %dma_start3A_270 = arith.constant 0 : i32
    %dma_start3A_271 = tpu.memref_slice %arg5[%add3A_269, %dma_start3A_270] : memref<106496x64xf32, #tpu.memory_space<hbm>> -> memref<832x64xf32, #tpu.memory_space<hbm>>
    %dma_start3A_272 = arith.constant 0 : i32
    %dma_start3A_273 = tpu.memref_slice %arg5[%add3A_269, %dma_start3A_272] : memref<106496x64xf32, #tpu.memory_space<hbm>> -> memref<832x64xf32, #tpu.memory_space<hbm>>
    tpu.enqueue_dma source(%arg9 : memref<832x64xf32, #tpu.memory_space<vmem>>) target(%dma_start3A_273 : memref<832x64xf32, #tpu.memory_space<hbm>>) target_semaphore(%arg13 : memref<!tpu.dma_semaphore, #tpu.memory_space<semaphore_mem>>)
    %dma_wait3A_274 = arith.constant 0 : i32
    %dma_wait3A_275 = tpu.memref_slice %arg5[%add3A_199, %dma_wait3A_274] : memref<106496x64xf32, #tpu.memory_space<hbm>> -> memref<832x64xf32, #tpu.memory_space<hbm>>
    %dma_wait3A_276 = arith.constant 0 : i32
    %dma_wait3A_277 = tpu.memref_slice %arg5[%add3A_199, %dma_wait3A_276] : memref<106496x64xf32, #tpu.memory_space<hbm>> -> memref<832x64xf32, #tpu.memory_space<hbm>>
    tpu.wait_dma2 semaphore(%arg12 : memref<!tpu.dma_semaphore, #tpu.memory_space<semaphore_mem>>) src(%arg8 : memref<832x64xf32, #tpu.memory_space<vmem>>) dst(%dma_wait3A_277 : memref<832x64xf32, #tpu.memory_space<hbm>>)
    %dma_start3A_278 = arith.constant 0 : i32
    %dma_start3A_279 = arith.constant 0 : i32
    %dma_start3A_280 = tpu.memref_slice %arg8[%dma_start3A_278, %dma_start3A_279] : memref<832x64xf32, #tpu.memory_space<vmem>> -> memref<104x64xf32, #tpu.memory_space<vmem>>
    %dma_start3A_281 = arith.constant 1664 : i32
    %dma_start3A_282 = tpu.memref_slice %arg6[%dma_start3A_281] : memref<3328xi32, #tpu.memory_space<vmem>> -> memref<104xi32, #tpu.memory_space<vmem>>
    %dma_start3A_283 = arith.constant 0 : i32
    %dma_start3A_284 = arith.constant 0 : i32
    %dma_start3A_285 = tpu.memref_slice %arg2[%dma_start3A_283, %dma_start3A_284] : memref<2600000x64xf32, #tpu.memory_space<hbm>> -> memref<2600000x64xf32, #tpu.memory_space<hbm>>
    tpu.enqueue_indirect_dma source(%dma_start3A_285 : memref<2600000x64xf32, #tpu.memory_space<hbm>>) target(%dma_start3A_280 : memref<104x64xf32, #tpu.memory_space<vmem>>) offsets(%dma_start3A_282 : memref<104xi32, #tpu.memory_space<vmem>>) semaphore(%arg10 : memref<!tpu.dma_semaphore, #tpu.memory_space<semaphore_mem>>)
    %dma_start3A_286 = arith.constant 104 : i32
    %dma_start3A_287 = arith.constant 0 : i32
    %dma_start3A_288 = tpu.memref_slice %arg8[%dma_start3A_286, %dma_start3A_287] : memref<832x64xf32, #tpu.memory_space<vmem>> -> memref<104x64xf32, #tpu.memory_space<vmem>>
    %dma_start3A_289 = arith.constant 1768 : i32
    %dma_start3A_290 = tpu.memref_slice %arg6[%dma_start3A_289] : memref<3328xi32, #tpu.memory_space<vmem>> -> memref<104xi32, #tpu.memory_space<vmem>>
    %dma_start3A_291 = arith.constant 0 : i32
    %dma_start3A_292 = arith.constant 0 : i32
    %dma_start3A_293 = tpu.memref_slice %arg2[%dma_start3A_291, %dma_start3A_292] : memref<2600000x64xf32, #tpu.memory_space<hbm>> -> memref<2600000x64xf32, #tpu.memory_space<hbm>>
    tpu.enqueue_indirect_dma source(%dma_start3A_293 : memref<2600000x64xf32, #tpu.memory_space<hbm>>) target(%dma_start3A_288 : memref<104x64xf32, #tpu.memory_space<vmem>>) offsets(%dma_start3A_290 : memref<104xi32, #tpu.memory_space<vmem>>) semaphore(%arg10 : memref<!tpu.dma_semaphore, #tpu.memory_space<semaphore_mem>>)
    %dma_start3A_294 = arith.constant 208 : i32
    %dma_start3A_295 = arith.constant 0 : i32
    %dma_start3A_296 = tpu.memref_slice %arg8[%dma_start3A_294, %dma_start3A_295] : memref<832x64xf32, #tpu.memory_space<vmem>> -> memref<104x64xf32, #tpu.memory_space<vmem>>
    %dma_start3A_297 = arith.constant 1872 : i32
    %dma_start3A_298 = tpu.memref_slice %arg6[%dma_start3A_297] : memref<3328xi32, #tpu.memory_space<vmem>> -> memref<104xi32, #tpu.memory_space<vmem>>
    %dma_start3A_299 = arith.constant 0 : i32
    %dma_start3A_300 = arith.constant 0 : i32
    %dma_start3A_301 = tpu.memref_slice %arg2[%dma_start3A_299, %dma_start3A_300] : memref<2600000x64xf32, #tpu.memory_space<hbm>> -> memref<2600000x64xf32, #tpu.memory_space<hbm>>
    tpu.enqueue_indirect_dma source(%dma_start3A_301 : memref<2600000x64xf32, #tpu.memory_space<hbm>>) target(%dma_start3A_296 : memref<104x64xf32, #tpu.memory_space<vmem>>) offsets(%dma_start3A_298 : memref<104xi32, #tpu.memory_space<vmem>>) semaphore(%arg10 : memref<!tpu.dma_semaphore, #tpu.memory_space<semaphore_mem>>)
    %dma_start3A_302 = arith.constant 312 : i32
    %dma_start3A_303 = arith.constant 0 : i32
    %dma_start3A_304 = tpu.memref_slice %arg8[%dma_start3A_302, %dma_start3A_303] : memref<832x64xf32, #tpu.memory_space<vmem>> -> memref<104x64xf32, #tpu.memory_space<vmem>>
    %dma_start3A_305 = arith.constant 1976 : i32
    %dma_start3A_306 = tpu.memref_slice %arg6[%dma_start3A_305] : memref<3328xi32, #tpu.memory_space<vmem>> -> memref<104xi32, #tpu.memory_space<vmem>>
    %dma_start3A_307 = arith.constant 0 : i32
    %dma_start3A_308 = arith.constant 0 : i32
    %dma_start3A_309 = tpu.memref_slice %arg2[%dma_start3A_307, %dma_start3A_308] : memref<2600000x64xf32, #tpu.memory_space<hbm>> -> memref<2600000x64xf32, #tpu.memory_space<hbm>>
    tpu.enqueue_indirect_dma source(%dma_start3A_309 : memref<2600000x64xf32, #tpu.memory_space<hbm>>) target(%dma_start3A_304 : memref<104x64xf32, #tpu.memory_space<vmem>>) offsets(%dma_start3A_306 : memref<104xi32, #tpu.memory_space<vmem>>) semaphore(%arg10 : memref<!tpu.dma_semaphore, #tpu.memory_space<semaphore_mem>>)
    %dma_start3A_310 = arith.constant 416 : i32
    %dma_start3A_311 = arith.constant 0 : i32
    %dma_start3A_312 = tpu.memref_slice %arg8[%dma_start3A_310, %dma_start3A_311] : memref<832x64xf32, #tpu.memory_space<vmem>> -> memref<104x64xf32, #tpu.memory_space<vmem>>
    %dma_start3A_313 = arith.constant 2080 : i32
    %dma_start3A_314 = tpu.memref_slice %arg6[%dma_start3A_313] : memref<3328xi32, #tpu.memory_space<vmem>> -> memref<104xi32, #tpu.memory_space<vmem>>
    %dma_start3A_315 = arith.constant 0 : i32
    %dma_start3A_316 = arith.constant 0 : i32
    %dma_start3A_317 = tpu.memref_slice %arg2[%dma_start3A_315, %dma_start3A_316] : memref<2600000x64xf32, #tpu.memory_space<hbm>> -> memref<2600000x64xf32, #tpu.memory_space<hbm>>
    tpu.enqueue_indirect_dma source(%dma_start3A_317 : memref<2600000x64xf32, #tpu.memory_space<hbm>>) target(%dma_start3A_312 : memref<104x64xf32, #tpu.memory_space<vmem>>) offsets(%dma_start3A_314 : memref<104xi32, #tpu.memory_space<vmem>>) semaphore(%arg10 : memref<!tpu.dma_semaphore, #tpu.memory_space<semaphore_mem>>)
    %dma_start3A_318 = arith.constant 520 : i32
    %dma_start3A_319 = arith.constant 0 : i32
    %dma_start3A_320 = tpu.memref_slice %arg8[%dma_start3A_318, %dma_start3A_319] : memref<832x64xf32, #tpu.memory_space<vmem>> -> memref<104x64xf32, #tpu.memory_space<vmem>>
    %dma_start3A_321 = arith.constant 2184 : i32
    %dma_start3A_322 = tpu.memref_slice %arg6[%dma_start3A_321] : memref<3328xi32, #tpu.memory_space<vmem>> -> memref<104xi32, #tpu.memory_space<vmem>>
    %dma_start3A_323 = arith.constant 0 : i32
    %dma_start3A_324 = arith.constant 0 : i32
    %dma_start3A_325 = tpu.memref_slice %arg2[%dma_start3A_323, %dma_start3A_324] : memref<2600000x64xf32, #tpu.memory_space<hbm>> -> memref<2600000x64xf32, #tpu.memory_space<hbm>>
    tpu.enqueue_indirect_dma source(%dma_start3A_325 : memref<2600000x64xf32, #tpu.memory_space<hbm>>) target(%dma_start3A_320 : memref<104x64xf32, #tpu.memory_space<vmem>>) offsets(%dma_start3A_322 : memref<104xi32, #tpu.memory_space<vmem>>) semaphore(%arg10 : memref<!tpu.dma_semaphore, #tpu.memory_space<semaphore_mem>>)
    %dma_start3A_326 = arith.constant 624 : i32
    %dma_start3A_327 = arith.constant 0 : i32
    %dma_start3A_328 = tpu.memref_slice %arg8[%dma_start3A_326, %dma_start3A_327] : memref<832x64xf32, #tpu.memory_space<vmem>> -> memref<104x64xf32, #tpu.memory_space<vmem>>
    %dma_start3A_329 = arith.constant 2288 : i32
    %dma_start3A_330 = tpu.memref_slice %arg6[%dma_start3A_329] : memref<3328xi32, #tpu.memory_space<vmem>> -> memref<104xi32, #tpu.memory_space<vmem>>
    %dma_start3A_331 = arith.constant 0 : i32
    %dma_start3A_332 = arith.constant 0 : i32
    %dma_start3A_333 = tpu.memref_slice %arg2[%dma_start3A_331, %dma_start3A_332] : memref<2600000x64xf32, #tpu.memory_space<hbm>> -> memref<2600000x64xf32, #tpu.memory_space<hbm>>
    tpu.enqueue_indirect_dma source(%dma_start3A_333 : memref<2600000x64xf32, #tpu.memory_space<hbm>>) target(%dma_start3A_328 : memref<104x64xf32, #tpu.memory_space<vmem>>) offsets(%dma_start3A_330 : memref<104xi32, #tpu.memory_space<vmem>>) semaphore(%arg10 : memref<!tpu.dma_semaphore, #tpu.memory_space<semaphore_mem>>)
    %dma_start3A_334 = arith.constant 728 : i32
    %dma_start3A_335 = arith.constant 0 : i32
    %dma_start3A_336 = tpu.memref_slice %arg8[%dma_start3A_334, %dma_start3A_335] : memref<832x64xf32, #tpu.memory_space<vmem>> -> memref<104x64xf32, #tpu.memory_space<vmem>>
    %dma_start3A_337 = arith.constant 2392 : i32
    %dma_start3A_338 = tpu.memref_slice %arg6[%dma_start3A_337] : memref<3328xi32, #tpu.memory_space<vmem>> -> memref<104xi32, #tpu.memory_space<vmem>>
    %dma_start3A_339 = arith.constant 0 : i32
    %dma_start3A_340 = arith.constant 0 : i32
    %dma_start3A_341 = tpu.memref_slice %arg2[%dma_start3A_339, %dma_start3A_340] : memref<2600000x64xf32, #tpu.memory_space<hbm>> -> memref<2600000x64xf32, #tpu.memory_space<hbm>>
    tpu.enqueue_indirect_dma source(%dma_start3A_341 : memref<2600000x64xf32, #tpu.memory_space<hbm>>) target(%dma_start3A_336 : memref<104x64xf32, #tpu.memory_space<vmem>>) offsets(%dma_start3A_338 : memref<104xi32, #tpu.memory_space<vmem>>) semaphore(%arg10 : memref<!tpu.dma_semaphore, #tpu.memory_space<semaphore_mem>>)
    %dma_wait3A_342 = arith.constant 0 : i32
    %dma_wait3A_343 = tpu.memref_slice %arg5[%add3A_269, %dma_wait3A_342] : memref<106496x64xf32, #tpu.memory_space<hbm>> -> memref<832x64xf32, #tpu.memory_space<hbm>>
    %dma_wait3A_344 = arith.constant 0 : i32
    %dma_wait3A_345 = tpu.memref_slice %arg5[%add3A_269, %dma_wait3A_344] : memref<106496x64xf32, #tpu.memory_space<hbm>> -> memref<832x64xf32, #tpu.memory_space<hbm>>
    tpu.wait_dma2 semaphore(%arg13 : memref<!tpu.dma_semaphore, #tpu.memory_space<semaphore_mem>>) src(%arg9 : memref<832x64xf32, #tpu.memory_space<vmem>>) dst(%dma_wait3A_345 : memref<832x64xf32, #tpu.memory_space<hbm>>)
    %dma_start3A_346 = arith.constant 0 : i32
    %dma_start3A_347 = arith.constant 0 : i32
    %dma_start3A_348 = tpu.memref_slice %arg9[%dma_start3A_346, %dma_start3A_347] : memref<832x64xf32, #tpu.memory_space<vmem>> -> memref<104x64xf32, #tpu.memory_space<vmem>>
    %dma_start3A_349 = arith.constant 2496 : i32
    %dma_start3A_350 = tpu.memref_slice %arg6[%dma_start3A_349] : memref<3328xi32, #tpu.memory_space<vmem>> -> memref<104xi32, #tpu.memory_space<vmem>>
    %dma_start3A_351 = arith.constant 0 : i32
    %dma_start3A_352 = arith.constant 0 : i32
    %dma_start3A_353 = tpu.memref_slice %arg2[%dma_start3A_351, %dma_start3A_352] : memref<2600000x64xf32, #tpu.memory_space<hbm>> -> memref<2600000x64xf32, #tpu.memory_space<hbm>>
    tpu.enqueue_indirect_dma source(%dma_start3A_353 : memref<2600000x64xf32, #tpu.memory_space<hbm>>) target(%dma_start3A_348 : memref<104x64xf32, #tpu.memory_space<vmem>>) offsets(%dma_start3A_350 : memref<104xi32, #tpu.memory_space<vmem>>) semaphore(%arg11 : memref<!tpu.dma_semaphore, #tpu.memory_space<semaphore_mem>>)
    %dma_start3A_354 = arith.constant 104 : i32
    %dma_start3A_355 = arith.constant 0 : i32
    %dma_start3A_356 = tpu.memref_slice %arg9[%dma_start3A_354, %dma_start3A_355] : memref<832x64xf32, #tpu.memory_space<vmem>> -> memref<104x64xf32, #tpu.memory_space<vmem>>
    %dma_start3A_357 = arith.constant 2600 : i32
    %dma_start3A_358 = tpu.memref_slice %arg6[%dma_start3A_357] : memref<3328xi32, #tpu.memory_space<vmem>> -> memref<104xi32, #tpu.memory_space<vmem>>
    %dma_start3A_359 = arith.constant 0 : i32
    %dma_start3A_360 = arith.constant 0 : i32
    %dma_start3A_361 = tpu.memref_slice %arg2[%dma_start3A_359, %dma_start3A_360] : memref<2600000x64xf32, #tpu.memory_space<hbm>> -> memref<2600000x64xf32, #tpu.memory_space<hbm>>
    tpu.enqueue_indirect_dma source(%dma_start3A_361 : memref<2600000x64xf32, #tpu.memory_space<hbm>>) target(%dma_start3A_356 : memref<104x64xf32, #tpu.memory_space<vmem>>) offsets(%dma_start3A_358 : memref<104xi32, #tpu.memory_space<vmem>>) semaphore(%arg11 : memref<!tpu.dma_semaphore, #tpu.memory_space<semaphore_mem>>)
    %dma_start3A_362 = arith.constant 208 : i32
    %dma_start3A_363 = arith.constant 0 : i32
    %dma_start3A_364 = tpu.memref_slice %arg9[%dma_start3A_362, %dma_start3A_363] : memref<832x64xf32, #tpu.memory_space<vmem>> -> memref<104x64xf32, #tpu.memory_space<vmem>>
    %dma_start3A_365 = arith.constant 2704 : i32
    %dma_start3A_366 = tpu.memref_slice %arg6[%dma_start3A_365] : memref<3328xi32, #tpu.memory_space<vmem>> -> memref<104xi32, #tpu.memory_space<vmem>>
    %dma_start3A_367 = arith.constant 0 : i32
    %dma_start3A_368 = arith.constant 0 : i32
    %dma_start3A_369 = tpu.memref_slice %arg2[%dma_start3A_367, %dma_start3A_368] : memref<2600000x64xf32, #tpu.memory_space<hbm>> -> memref<2600000x64xf32, #tpu.memory_space<hbm>>
    tpu.enqueue_indirect_dma source(%dma_start3A_369 : memref<2600000x64xf32, #tpu.memory_space<hbm>>) target(%dma_start3A_364 : memref<104x64xf32, #tpu.memory_space<vmem>>) offsets(%dma_start3A_366 : memref<104xi32, #tpu.memory_space<vmem>>) semaphore(%arg11 : memref<!tpu.dma_semaphore, #tpu.memory_space<semaphore_mem>>)
    %dma_start3A_370 = arith.constant 312 : i32
    %dma_start3A_371 = arith.constant 0 : i32
    %dma_start3A_372 = tpu.memref_slice %arg9[%dma_start3A_370, %dma_start3A_371] : memref<832x64xf32, #tpu.memory_space<vmem>> -> memref<104x64xf32, #tpu.memory_space<vmem>>
    %dma_start3A_373 = arith.constant 2808 : i32
    %dma_start3A_374 = tpu.memref_slice %arg6[%dma_start3A_373] : memref<3328xi32, #tpu.memory_space<vmem>> -> memref<104xi32, #tpu.memory_space<vmem>>
    %dma_start3A_375 = arith.constant 0 : i32
    %dma_start3A_376 = arith.constant 0 : i32
    %dma_start3A_377 = tpu.memref_slice %arg2[%dma_start3A_375, %dma_start3A_376] : memref<2600000x64xf32, #tpu.memory_space<hbm>> -> memref<2600000x64xf32, #tpu.memory_space<hbm>>
    tpu.enqueue_indirect_dma source(%dma_start3A_377 : memref<2600000x64xf32, #tpu.memory_space<hbm>>) target(%dma_start3A_372 : memref<104x64xf32, #tpu.memory_space<vmem>>) offsets(%dma_start3A_374 : memref<104xi32, #tpu.memory_space<vmem>>) semaphore(%arg11 : memref<!tpu.dma_semaphore, #tpu.memory_space<semaphore_mem>>)
    %dma_start3A_378 = arith.constant 416 : i32
    %dma_start3A_379 = arith.constant 0 : i32
    %dma_start3A_380 = tpu.memref_slice %arg9[%dma_start3A_378, %dma_start3A_379] : memref<832x64xf32, #tpu.memory_space<vmem>> -> memref<104x64xf32, #tpu.memory_space<vmem>>
    %dma_start3A_381 = arith.constant 2912 : i32
    %dma_start3A_382 = tpu.memref_slice %arg6[%dma_start3A_381] : memref<3328xi32, #tpu.memory_space<vmem>> -> memref<104xi32, #tpu.memory_space<vmem>>
    %dma_start3A_383 = arith.constant 0 : i32
    %dma_start3A_384 = arith.constant 0 : i32
    %dma_start3A_385 = tpu.memref_slice %arg2[%dma_start3A_383, %dma_start3A_384] : memref<2600000x64xf32, #tpu.memory_space<hbm>> -> memref<2600000x64xf32, #tpu.memory_space<hbm>>
    tpu.enqueue_indirect_dma source(%dma_start3A_385 : memref<2600000x64xf32, #tpu.memory_space<hbm>>) target(%dma_start3A_380 : memref<104x64xf32, #tpu.memory_space<vmem>>) offsets(%dma_start3A_382 : memref<104xi32, #tpu.memory_space<vmem>>) semaphore(%arg11 : memref<!tpu.dma_semaphore, #tpu.memory_space<semaphore_mem>>)
    %dma_start3A_386 = arith.constant 520 : i32
    %dma_start3A_387 = arith.constant 0 : i32
    %dma_start3A_388 = tpu.memref_slice %arg9[%dma_start3A_386, %dma_start3A_387] : memref<832x64xf32, #tpu.memory_space<vmem>> -> memref<104x64xf32, #tpu.memory_space<vmem>>
    %dma_start3A_389 = arith.constant 3016 : i32
    %dma_start3A_390 = tpu.memref_slice %arg6[%dma_start3A_389] : memref<3328xi32, #tpu.memory_space<vmem>> -> memref<104xi32, #tpu.memory_space<vmem>>
    %dma_start3A_391 = arith.constant 0 : i32
    %dma_start3A_392 = arith.constant 0 : i32
    %dma_start3A_393 = tpu.memref_slice %arg2[%dma_start3A_391, %dma_start3A_392] : memref<2600000x64xf32, #tpu.memory_space<hbm>> -> memref<2600000x64xf32, #tpu.memory_space<hbm>>
    tpu.enqueue_indirect_dma source(%dma_start3A_393 : memref<2600000x64xf32, #tpu.memory_space<hbm>>) target(%dma_start3A_388 : memref<104x64xf32, #tpu.memory_space<vmem>>) offsets(%dma_start3A_390 : memref<104xi32, #tpu.memory_space<vmem>>) semaphore(%arg11 : memref<!tpu.dma_semaphore, #tpu.memory_space<semaphore_mem>>)
    %dma_start3A_394 = arith.constant 624 : i32
    %dma_start3A_395 = arith.constant 0 : i32
    %dma_start3A_396 = tpu.memref_slice %arg9[%dma_start3A_394, %dma_start3A_395] : memref<832x64xf32, #tpu.memory_space<vmem>> -> memref<104x64xf32, #tpu.memory_space<vmem>>
    %dma_start3A_397 = arith.constant 3120 : i32
    %dma_start3A_398 = tpu.memref_slice %arg6[%dma_start3A_397] : memref<3328xi32, #tpu.memory_space<vmem>> -> memref<104xi32, #tpu.memory_space<vmem>>
    %dma_start3A_399 = arith.constant 0 : i32
    %dma_start3A_400 = arith.constant 0 : i32
    %dma_start3A_401 = tpu.memref_slice %arg2[%dma_start3A_399, %dma_start3A_400] : memref<2600000x64xf32, #tpu.memory_space<hbm>> -> memref<2600000x64xf32, #tpu.memory_space<hbm>>
    tpu.enqueue_indirect_dma source(%dma_start3A_401 : memref<2600000x64xf32, #tpu.memory_space<hbm>>) target(%dma_start3A_396 : memref<104x64xf32, #tpu.memory_space<vmem>>) offsets(%dma_start3A_398 : memref<104xi32, #tpu.memory_space<vmem>>) semaphore(%arg11 : memref<!tpu.dma_semaphore, #tpu.memory_space<semaphore_mem>>)
    %dma_start3A_402 = arith.constant 728 : i32
    %dma_start3A_403 = arith.constant 0 : i32
    %dma_start3A_404 = tpu.memref_slice %arg9[%dma_start3A_402, %dma_start3A_403] : memref<832x64xf32, #tpu.memory_space<vmem>> -> memref<104x64xf32, #tpu.memory_space<vmem>>
    %dma_start3A_405 = arith.constant 3224 : i32
    %dma_start3A_406 = tpu.memref_slice %arg6[%dma_start3A_405] : memref<3328xi32, #tpu.memory_space<vmem>> -> memref<104xi32, #tpu.memory_space<vmem>>
    %dma_start3A_407 = arith.constant 0 : i32
    %dma_start3A_408 = arith.constant 0 : i32
    %dma_start3A_409 = tpu.memref_slice %arg2[%dma_start3A_407, %dma_start3A_408] : memref<2600000x64xf32, #tpu.memory_space<hbm>> -> memref<2600000x64xf32, #tpu.memory_space<hbm>>
    tpu.enqueue_indirect_dma source(%dma_start3A_409 : memref<2600000x64xf32, #tpu.memory_space<hbm>>) target(%dma_start3A_404 : memref<104x64xf32, #tpu.memory_space<vmem>>) offsets(%dma_start3A_406 : memref<104xi32, #tpu.memory_space<vmem>>) semaphore(%arg11 : memref<!tpu.dma_semaphore, #tpu.memory_space<semaphore_mem>>)
    %dma_wait3A_410 = arith.constant 0 : i32
    %dma_wait3A_411 = arith.constant 0 : i32
    %dma_wait3A_412 = tpu.memref_slice %arg8[%dma_wait3A_410, %dma_wait3A_411] : memref<832x64xf32, #tpu.memory_space<vmem>> -> memref<104x64xf32, #tpu.memory_space<vmem>>
    %dma_wait3A_413 = arith.constant 1664 : i32
    %dma_wait3A_414 = tpu.memref_slice %arg6[%dma_wait3A_413] : memref<3328xi32, #tpu.memory_space<vmem>> -> memref<104xi32, #tpu.memory_space<vmem>>
    %dma_wait3A_415 = arith.constant 0 : i32
    %dma_wait3A_416 = arith.constant 0 : i32
    %dma_wait3A_417 = tpu.memref_slice %arg2[%dma_wait3A_415, %dma_wait3A_416] : memref<2600000x64xf32, #tpu.memory_space<hbm>> -> memref<2600000x64xf32, #tpu.memory_space<hbm>>
    tpu.wait_indirect_dma semaphore(%arg10 : memref<!tpu.dma_semaphore, #tpu.memory_space<semaphore_mem>>) src(%dma_wait3A_417 : memref<2600000x64xf32, #tpu.memory_space<hbm>>) dst(%dma_wait3A_412 : memref<104x64xf32, #tpu.memory_space<vmem>>)
    %dma_wait3A_418 = arith.constant 104 : i32
    %dma_wait3A_419 = arith.constant 0 : i32
    %dma_wait3A_420 = tpu.memref_slice %arg8[%dma_wait3A_418, %dma_wait3A_419] : memref<832x64xf32, #tpu.memory_space<vmem>> -> memref<104x64xf32, #tpu.memory_space<vmem>>
    %dma_wait3A_421 = arith.constant 1768 : i32
    %dma_wait3A_422 = tpu.memref_slice %arg6[%dma_wait3A_421] : memref<3328xi32, #tpu.memory_space<vmem>> -> memref<104xi32, #tpu.memory_space<vmem>>
    %dma_wait3A_423 = arith.constant 0 : i32
    %dma_wait3A_424 = arith.constant 0 : i32
    %dma_wait3A_425 = tpu.memref_slice %arg2[%dma_wait3A_423, %dma_wait3A_424] : memref<2600000x64xf32, #tpu.memory_space<hbm>> -> memref<2600000x64xf32, #tpu.memory_space<hbm>>
    tpu.wait_indirect_dma semaphore(%arg10 : memref<!tpu.dma_semaphore, #tpu.memory_space<semaphore_mem>>) src(%dma_wait3A_425 : memref<2600000x64xf32, #tpu.memory_space<hbm>>) dst(%dma_wait3A_420 : memref<104x64xf32, #tpu.memory_space<vmem>>)
    %dma_wait3A_426 = arith.constant 208 : i32
    %dma_wait3A_427 = arith.constant 0 : i32
    %dma_wait3A_428 = tpu.memref_slice %arg8[%dma_wait3A_426, %dma_wait3A_427] : memref<832x64xf32, #tpu.memory_space<vmem>> -> memref<104x64xf32, #tpu.memory_space<vmem>>
    %dma_wait3A_429 = arith.constant 1872 : i32
    %dma_wait3A_430 = tpu.memref_slice %arg6[%dma_wait3A_429] : memref<3328xi32, #tpu.memory_space<vmem>> -> memref<104xi32, #tpu.memory_space<vmem>>
    %dma_wait3A_431 = arith.constant 0 : i32
    %dma_wait3A_432 = arith.constant 0 : i32
    %dma_wait3A_433 = tpu.memref_slice %arg2[%dma_wait3A_431, %dma_wait3A_432] : memref<2600000x64xf32, #tpu.memory_space<hbm>> -> memref<2600000x64xf32, #tpu.memory_space<hbm>>
    tpu.wait_indirect_dma semaphore(%arg10 : memref<!tpu.dma_semaphore, #tpu.memory_space<semaphore_mem>>) src(%dma_wait3A_433 : memref<2600000x64xf32, #tpu.memory_space<hbm>>) dst(%dma_wait3A_428 : memref<104x64xf32, #tpu.memory_space<vmem>>)
    %dma_wait3A_434 = arith.constant 312 : i32
    %dma_wait3A_435 = arith.constant 0 : i32
    %dma_wait3A_436 = tpu.memref_slice %arg8[%dma_wait3A_434, %dma_wait3A_435] : memref<832x64xf32, #tpu.memory_space<vmem>> -> memref<104x64xf32, #tpu.memory_space<vmem>>
    %dma_wait3A_437 = arith.constant 1976 : i32
    %dma_wait3A_438 = tpu.memref_slice %arg6[%dma_wait3A_437] : memref<3328xi32, #tpu.memory_space<vmem>> -> memref<104xi32, #tpu.memory_space<vmem>>
    %dma_wait3A_439 = arith.constant 0 : i32
    %dma_wait3A_440 = arith.constant 0 : i32
    %dma_wait3A_441 = tpu.memref_slice %arg2[%dma_wait3A_439, %dma_wait3A_440] : memref<2600000x64xf32, #tpu.memory_space<hbm>> -> memref<2600000x64xf32, #tpu.memory_space<hbm>>
    tpu.wait_indirect_dma semaphore(%arg10 : memref<!tpu.dma_semaphore, #tpu.memory_space<semaphore_mem>>) src(%dma_wait3A_441 : memref<2600000x64xf32, #tpu.memory_space<hbm>>) dst(%dma_wait3A_436 : memref<104x64xf32, #tpu.memory_space<vmem>>)
    %dma_wait3A_442 = arith.constant 416 : i32
    %dma_wait3A_443 = arith.constant 0 : i32
    %dma_wait3A_444 = tpu.memref_slice %arg8[%dma_wait3A_442, %dma_wait3A_443] : memref<832x64xf32, #tpu.memory_space<vmem>> -> memref<104x64xf32, #tpu.memory_space<vmem>>
    %dma_wait3A_445 = arith.constant 2080 : i32
    %dma_wait3A_446 = tpu.memref_slice %arg6[%dma_wait3A_445] : memref<3328xi32, #tpu.memory_space<vmem>> -> memref<104xi32, #tpu.memory_space<vmem>>
    %dma_wait3A_447 = arith.constant 0 : i32
    %dma_wait3A_448 = arith.constant 0 : i32
    %dma_wait3A_449 = tpu.memref_slice %arg2[%dma_wait3A_447, %dma_wait3A_448] : memref<2600000x64xf32, #tpu.memory_space<hbm>> -> memref<2600000x64xf32, #tpu.memory_space<hbm>>
    tpu.wait_indirect_dma semaphore(%arg10 : memref<!tpu.dma_semaphore, #tpu.memory_space<semaphore_mem>>) src(%dma_wait3A_449 : memref<2600000x64xf32, #tpu.memory_space<hbm>>) dst(%dma_wait3A_444 : memref<104x64xf32, #tpu.memory_space<vmem>>)
    %dma_wait3A_450 = arith.constant 520 : i32
    %dma_wait3A_451 = arith.constant 0 : i32
    %dma_wait3A_452 = tpu.memref_slice %arg8[%dma_wait3A_450, %dma_wait3A_451] : memref<832x64xf32, #tpu.memory_space<vmem>> -> memref<104x64xf32, #tpu.memory_space<vmem>>
    %dma_wait3A_453 = arith.constant 2184 : i32
    %dma_wait3A_454 = tpu.memref_slice %arg6[%dma_wait3A_453] : memref<3328xi32, #tpu.memory_space<vmem>> -> memref<104xi32, #tpu.memory_space<vmem>>
    %dma_wait3A_455 = arith.constant 0 : i32
    %dma_wait3A_456 = arith.constant 0 : i32
    %dma_wait3A_457 = tpu.memref_slice %arg2[%dma_wait3A_455, %dma_wait3A_456] : memref<2600000x64xf32, #tpu.memory_space<hbm>> -> memref<2600000x64xf32, #tpu.memory_space<hbm>>
    tpu.wait_indirect_dma semaphore(%arg10 : memref<!tpu.dma_semaphore, #tpu.memory_space<semaphore_mem>>) src(%dma_wait3A_457 : memref<2600000x64xf32, #tpu.memory_space<hbm>>) dst(%dma_wait3A_452 : memref<104x64xf32, #tpu.memory_space<vmem>>)
    %dma_wait3A_458 = arith.constant 624 : i32
    %dma_wait3A_459 = arith.constant 0 : i32
    %dma_wait3A_460 = tpu.memref_slice %arg8[%dma_wait3A_458, %dma_wait3A_459] : memref<832x64xf32, #tpu.memory_space<vmem>> -> memref<104x64xf32, #tpu.memory_space<vmem>>
    %dma_wait3A_461 = arith.constant 2288 : i32
    %dma_wait3A_462 = tpu.memref_slice %arg6[%dma_wait3A_461] : memref<3328xi32, #tpu.memory_space<vmem>> -> memref<104xi32, #tpu.memory_space<vmem>>
    %dma_wait3A_463 = arith.constant 0 : i32
    %dma_wait3A_464 = arith.constant 0 : i32
    %dma_wait3A_465 = tpu.memref_slice %arg2[%dma_wait3A_463, %dma_wait3A_464] : memref<2600000x64xf32, #tpu.memory_space<hbm>> -> memref<2600000x64xf32, #tpu.memory_space<hbm>>
    tpu.wait_indirect_dma semaphore(%arg10 : memref<!tpu.dma_semaphore, #tpu.memory_space<semaphore_mem>>) src(%dma_wait3A_465 : memref<2600000x64xf32, #tpu.memory_space<hbm>>) dst(%dma_wait3A_460 : memref<104x64xf32, #tpu.memory_space<vmem>>)
    %dma_wait3A_466 = arith.constant 728 : i32
    %dma_wait3A_467 = arith.constant 0 : i32
    %dma_wait3A_468 = tpu.memref_slice %arg8[%dma_wait3A_466, %dma_wait3A_467] : memref<832x64xf32, #tpu.memory_space<vmem>> -> memref<104x64xf32, #tpu.memory_space<vmem>>
    %dma_wait3A_469 = arith.constant 2392 : i32
    %dma_wait3A_470 = tpu.memref_slice %arg6[%dma_wait3A_469] : memref<3328xi32, #tpu.memory_space<vmem>> -> memref<104xi32, #tpu.memory_space<vmem>>
    %dma_wait3A_471 = arith.constant 0 : i32
    %dma_wait3A_472 = arith.constant 0 : i32
    %dma_wait3A_473 = tpu.memref_slice %arg2[%dma_wait3A_471, %dma_wait3A_472] : memref<2600000x64xf32, #tpu.memory_space<hbm>> -> memref<2600000x64xf32, #tpu.memory_space<hbm>>
    tpu.wait_indirect_dma semaphore(%arg10 : memref<!tpu.dma_semaphore, #tpu.memory_space<semaphore_mem>>) src(%dma_wait3A_473 : memref<2600000x64xf32, #tpu.memory_space<hbm>>) dst(%dma_wait3A_468 : memref<104x64xf32, #tpu.memory_space<vmem>>)
    %add3A_474 = arith.constant 1664 : i32
    %add3A_475 = arith.addi %mul3A_2, %add3A_474 : i32
    %dma_start3A_476 = arith.constant 0 : i32
    %dma_start3A_477 = tpu.memref_slice %arg5[%add3A_475, %dma_start3A_476] : memref<106496x64xf32, #tpu.memory_space<hbm>> -> memref<832x64xf32, #tpu.memory_space<hbm>>
    %dma_start3A_478 = arith.constant 0 : i32
    %dma_start3A_479 = tpu.memref_slice %arg5[%add3A_475, %dma_start3A_478] : memref<106496x64xf32, #tpu.memory_space<hbm>> -> memref<832x64xf32, #tpu.memory_space<hbm>>
    tpu.enqueue_dma source(%arg8 : memref<832x64xf32, #tpu.memory_space<vmem>>) target(%dma_start3A_479 : memref<832x64xf32, #tpu.memory_space<hbm>>) target_semaphore(%arg12 : memref<!tpu.dma_semaphore, #tpu.memory_space<semaphore_mem>>)
    %dma_wait3A_480 = arith.constant 0 : i32
    %dma_wait3A_481 = arith.constant 0 : i32
    %dma_wait3A_482 = tpu.memref_slice %arg9[%dma_wait3A_480, %dma_wait3A_481] : memref<832x64xf32, #tpu.memory_space<vmem>> -> memref<104x64xf32, #tpu.memory_space<vmem>>
    %dma_wait3A_483 = arith.constant 2496 : i32
    %dma_wait3A_484 = tpu.memref_slice %arg6[%dma_wait3A_483] : memref<3328xi32, #tpu.memory_space<vmem>> -> memref<104xi32, #tpu.memory_space<vmem>>
    %dma_wait3A_485 = arith.constant 0 : i32
    %dma_wait3A_486 = arith.constant 0 : i32
    %dma_wait3A_487 = tpu.memref_slice %arg2[%dma_wait3A_485, %dma_wait3A_486] : memref<2600000x64xf32, #tpu.memory_space<hbm>> -> memref<2600000x64xf32, #tpu.memory_space<hbm>>
    tpu.wait_indirect_dma semaphore(%arg11 : memref<!tpu.dma_semaphore, #tpu.memory_space<semaphore_mem>>) src(%dma_wait3A_487 : memref<2600000x64xf32, #tpu.memory_space<hbm>>) dst(%dma_wait3A_482 : memref<104x64xf32, #tpu.memory_space<vmem>>)
    %dma_wait3A_488 = arith.constant 104 : i32
    %dma_wait3A_489 = arith.constant 0 : i32
    %dma_wait3A_490 = tpu.memref_slice %arg9[%dma_wait3A_488, %dma_wait3A_489] : memref<832x64xf32, #tpu.memory_space<vmem>> -> memref<104x64xf32, #tpu.memory_space<vmem>>
    %dma_wait3A_491 = arith.constant 2600 : i32
    %dma_wait3A_492 = tpu.memref_slice %arg6[%dma_wait3A_491] : memref<3328xi32, #tpu.memory_space<vmem>> -> memref<104xi32, #tpu.memory_space<vmem>>
    %dma_wait3A_493 = arith.constant 0 : i32
    %dma_wait3A_494 = arith.constant 0 : i32
    %dma_wait3A_495 = tpu.memref_slice %arg2[%dma_wait3A_493, %dma_wait3A_494] : memref<2600000x64xf32, #tpu.memory_space<hbm>> -> memref<2600000x64xf32, #tpu.memory_space<hbm>>
    tpu.wait_indirect_dma semaphore(%arg11 : memref<!tpu.dma_semaphore, #tpu.memory_space<semaphore_mem>>) src(%dma_wait3A_495 : memref<2600000x64xf32, #tpu.memory_space<hbm>>) dst(%dma_wait3A_490 : memref<104x64xf32, #tpu.memory_space<vmem>>)
    %dma_wait3A_496 = arith.constant 208 : i32
    %dma_wait3A_497 = arith.constant 0 : i32
    %dma_wait3A_498 = tpu.memref_slice %arg9[%dma_wait3A_496, %dma_wait3A_497] : memref<832x64xf32, #tpu.memory_space<vmem>> -> memref<104x64xf32, #tpu.memory_space<vmem>>
    %dma_wait3A_499 = arith.constant 2704 : i32
    %dma_wait3A_500 = tpu.memref_slice %arg6[%dma_wait3A_499] : memref<3328xi32, #tpu.memory_space<vmem>> -> memref<104xi32, #tpu.memory_space<vmem>>
    %dma_wait3A_501 = arith.constant 0 : i32
    %dma_wait3A_502 = arith.constant 0 : i32
    %dma_wait3A_503 = tpu.memref_slice %arg2[%dma_wait3A_501, %dma_wait3A_502] : memref<2600000x64xf32, #tpu.memory_space<hbm>> -> memref<2600000x64xf32, #tpu.memory_space<hbm>>
    tpu.wait_indirect_dma semaphore(%arg11 : memref<!tpu.dma_semaphore, #tpu.memory_space<semaphore_mem>>) src(%dma_wait3A_503 : memref<2600000x64xf32, #tpu.memory_space<hbm>>) dst(%dma_wait3A_498 : memref<104x64xf32, #tpu.memory_space<vmem>>)
    %dma_wait3A_504 = arith.constant 312 : i32
    %dma_wait3A_505 = arith.constant 0 : i32
    %dma_wait3A_506 = tpu.memref_slice %arg9[%dma_wait3A_504, %dma_wait3A_505] : memref<832x64xf32, #tpu.memory_space<vmem>> -> memref<104x64xf32, #tpu.memory_space<vmem>>
    %dma_wait3A_507 = arith.constant 2808 : i32
    %dma_wait3A_508 = tpu.memref_slice %arg6[%dma_wait3A_507] : memref<3328xi32, #tpu.memory_space<vmem>> -> memref<104xi32, #tpu.memory_space<vmem>>
    %dma_wait3A_509 = arith.constant 0 : i32
    %dma_wait3A_510 = arith.constant 0 : i32
    %dma_wait3A_511 = tpu.memref_slice %arg2[%dma_wait3A_509, %dma_wait3A_510] : memref<2600000x64xf32, #tpu.memory_space<hbm>> -> memref<2600000x64xf32, #tpu.memory_space<hbm>>
    tpu.wait_indirect_dma semaphore(%arg11 : memref<!tpu.dma_semaphore, #tpu.memory_space<semaphore_mem>>) src(%dma_wait3A_511 : memref<2600000x64xf32, #tpu.memory_space<hbm>>) dst(%dma_wait3A_506 : memref<104x64xf32, #tpu.memory_space<vmem>>)
    %dma_wait3A_512 = arith.constant 416 : i32
    %dma_wait3A_513 = arith.constant 0 : i32
    %dma_wait3A_514 = tpu.memref_slice %arg9[%dma_wait3A_512, %dma_wait3A_513] : memref<832x64xf32, #tpu.memory_space<vmem>> -> memref<104x64xf32, #tpu.memory_space<vmem>>
    %dma_wait3A_515 = arith.constant 2912 : i32
    %dma_wait3A_516 = tpu.memref_slice %arg6[%dma_wait3A_515] : memref<3328xi32, #tpu.memory_space<vmem>> -> memref<104xi32, #tpu.memory_space<vmem>>
    %dma_wait3A_517 = arith.constant 0 : i32
    %dma_wait3A_518 = arith.constant 0 : i32
    %dma_wait3A_519 = tpu.memref_slice %arg2[%dma_wait3A_517, %dma_wait3A_518] : memref<2600000x64xf32, #tpu.memory_space<hbm>> -> memref<2600000x64xf32, #tpu.memory_space<hbm>>
    tpu.wait_indirect_dma semaphore(%arg11 : memref<!tpu.dma_semaphore, #tpu.memory_space<semaphore_mem>>) src(%dma_wait3A_519 : memref<2600000x64xf32, #tpu.memory_space<hbm>>) dst(%dma_wait3A_514 : memref<104x64xf32, #tpu.memory_space<vmem>>)
    %dma_wait3A_520 = arith.constant 520 : i32
    %dma_wait3A_521 = arith.constant 0 : i32
    %dma_wait3A_522 = tpu.memref_slice %arg9[%dma_wait3A_520, %dma_wait3A_521] : memref<832x64xf32, #tpu.memory_space<vmem>> -> memref<104x64xf32, #tpu.memory_space<vmem>>
    %dma_wait3A_523 = arith.constant 3016 : i32
    %dma_wait3A_524 = tpu.memref_slice %arg6[%dma_wait3A_523] : memref<3328xi32, #tpu.memory_space<vmem>> -> memref<104xi32, #tpu.memory_space<vmem>>
    %dma_wait3A_525 = arith.constant 0 : i32
    %dma_wait3A_526 = arith.constant 0 : i32
    %dma_wait3A_527 = tpu.memref_slice %arg2[%dma_wait3A_525, %dma_wait3A_526] : memref<2600000x64xf32, #tpu.memory_space<hbm>> -> memref<2600000x64xf32, #tpu.memory_space<hbm>>
    tpu.wait_indirect_dma semaphore(%arg11 : memref<!tpu.dma_semaphore, #tpu.memory_space<semaphore_mem>>) src(%dma_wait3A_527 : memref<2600000x64xf32, #tpu.memory_space<hbm>>) dst(%dma_wait3A_522 : memref<104x64xf32, #tpu.memory_space<vmem>>)
    %dma_wait3A_528 = arith.constant 624 : i32
    %dma_wait3A_529 = arith.constant 0 : i32
    %dma_wait3A_530 = tpu.memref_slice %arg9[%dma_wait3A_528, %dma_wait3A_529] : memref<832x64xf32, #tpu.memory_space<vmem>> -> memref<104x64xf32, #tpu.memory_space<vmem>>
    %dma_wait3A_531 = arith.constant 3120 : i32
    %dma_wait3A_532 = tpu.memref_slice %arg6[%dma_wait3A_531] : memref<3328xi32, #tpu.memory_space<vmem>> -> memref<104xi32, #tpu.memory_space<vmem>>
    %dma_wait3A_533 = arith.constant 0 : i32
    %dma_wait3A_534 = arith.constant 0 : i32
    %dma_wait3A_535 = tpu.memref_slice %arg2[%dma_wait3A_533, %dma_wait3A_534] : memref<2600000x64xf32, #tpu.memory_space<hbm>> -> memref<2600000x64xf32, #tpu.memory_space<hbm>>
    tpu.wait_indirect_dma semaphore(%arg11 : memref<!tpu.dma_semaphore, #tpu.memory_space<semaphore_mem>>) src(%dma_wait3A_535 : memref<2600000x64xf32, #tpu.memory_space<hbm>>) dst(%dma_wait3A_530 : memref<104x64xf32, #tpu.memory_space<vmem>>)
    %dma_wait3A_536 = arith.constant 728 : i32
    %dma_wait3A_537 = arith.constant 0 : i32
    %dma_wait3A_538 = tpu.memref_slice %arg9[%dma_wait3A_536, %dma_wait3A_537] : memref<832x64xf32, #tpu.memory_space<vmem>> -> memref<104x64xf32, #tpu.memory_space<vmem>>
    %dma_wait3A_539 = arith.constant 3224 : i32
    %dma_wait3A_540 = tpu.memref_slice %arg6[%dma_wait3A_539] : memref<3328xi32, #tpu.memory_space<vmem>> -> memref<104xi32, #tpu.memory_space<vmem>>
    %dma_wait3A_541 = arith.constant 0 : i32
    %dma_wait3A_542 = arith.constant 0 : i32
    %dma_wait3A_543 = tpu.memref_slice %arg2[%dma_wait3A_541, %dma_wait3A_542] : memref<2600000x64xf32, #tpu.memory_space<hbm>> -> memref<2600000x64xf32, #tpu.memory_space<hbm>>
    tpu.wait_indirect_dma semaphore(%arg11 : memref<!tpu.dma_semaphore, #tpu.memory_space<semaphore_mem>>) src(%dma_wait3A_543 : memref<2600000x64xf32, #tpu.memory_space<hbm>>) dst(%dma_wait3A_538 : memref<104x64xf32, #tpu.memory_space<vmem>>)
    %add3A_544 = arith.constant 2496 : i32
    %add3A_545 = arith.addi %mul3A_2, %add3A_544 : i32
    %dma_start3A_546 = arith.constant 0 : i32
    %dma_start3A_547 = tpu.memref_slice %arg5[%add3A_545, %dma_start3A_546] : memref<106496x64xf32, #tpu.memory_space<hbm>> -> memref<832x64xf32, #tpu.memory_space<hbm>>
    %dma_start3A_548 = arith.constant 0 : i32
    %dma_start3A_549 = tpu.memref_slice %arg5[%add3A_545, %dma_start3A_548] : memref<106496x64xf32, #tpu.memory_space<hbm>> -> memref<832x64xf32, #tpu.memory_space<hbm>>
    tpu.enqueue_dma source(%arg9 : memref<832x64xf32, #tpu.memory_space<vmem>>) target(%dma_start3A_549 : memref<832x64xf32, #tpu.memory_space<hbm>>) target_semaphore(%arg13 : memref<!tpu.dma_semaphore, #tpu.memory_space<semaphore_mem>>)
    %dma_wait3A_550 = arith.constant 0 : i32
    %dma_wait3A_551 = tpu.memref_slice %arg5[%add3A_475, %dma_wait3A_550] : memref<106496x64xf32, #tpu.memory_space<hbm>> -> memref<832x64xf32, #tpu.memory_space<hbm>>
    %dma_wait3A_552 = arith.constant 0 : i32
    %dma_wait3A_553 = tpu.memref_slice %arg5[%add3A_475, %dma_wait3A_552] : memref<106496x64xf32, #tpu.memory_space<hbm>> -> memref<832x64xf32, #tpu.memory_space<hbm>>
    tpu.wait_dma2 semaphore(%arg12 : memref<!tpu.dma_semaphore, #tpu.memory_space<semaphore_mem>>) src(%arg8 : memref<832x64xf32, #tpu.memory_space<vmem>>) dst(%dma_wait3A_553 : memref<832x64xf32, #tpu.memory_space<hbm>>)
    %dma_wait3A_554 = arith.constant 0 : i32
    %dma_wait3A_555 = tpu.memref_slice %arg5[%add3A_545, %dma_wait3A_554] : memref<106496x64xf32, #tpu.memory_space<hbm>> -> memref<832x64xf32, #tpu.memory_space<hbm>>
    %dma_wait3A_556 = arith.constant 0 : i32
    %dma_wait3A_557 = tpu.memref_slice %arg5[%add3A_545, %dma_wait3A_556] : memref<106496x64xf32, #tpu.memory_space<hbm>> -> memref<832x64xf32, #tpu.memory_space<hbm>>
    tpu.wait_dma2 semaphore(%arg13 : memref<!tpu.dma_semaphore, #tpu.memory_space<semaphore_mem>>) src(%arg9 : memref<832x64xf32, #tpu.memory_space<vmem>>) dst(%dma_wait3A_557 : memref<832x64xf32, #tpu.memory_space<hbm>>)
    return
  }
}

module attributes {stable_mosaic.version = 14 : i64} {
  func.func @_mlp_body(%arg0: i32, %arg1: memref<1024x1664xf32, #tpu.memory_space<vmem>>, %arg2: memref<1024x128xf32, #tpu.memory_space<vmem>>, %arg3: memref<1x128xf32, #tpu.memory_space<vmem>>, %arg4: memref<1x128xf32, #tpu.memory_space<vmem>>, %arg5: memref<512x128xf32, #tpu.memory_space<vmem>>, %arg6: memref<1x512xf32, #tpu.memory_space<vmem>>, %arg7: memref<256x512xf32, #tpu.memory_space<vmem>>, %arg8: memref<1x256xf32, #tpu.memory_space<vmem>>, %arg9: memref<64x256xf32, #tpu.memory_space<vmem>>, %arg10: memref<1x64xf32, #tpu.memory_space<vmem>>, %arg11: memref<512x128xf32, #tpu.memory_space<vmem>>, %arg12: memref<1x512xf32, #tpu.memory_space<vmem>>, %arg13: memref<256x512xf32, #tpu.memory_space<vmem>>, %arg14: memref<1x256xf32, #tpu.memory_space<vmem>>, %arg15: memref<64x256xf32, #tpu.memory_space<vmem>>, %arg16: memref<1x64xf32, #tpu.memory_space<vmem>>, %arg17: memref<512x1664xf32, #tpu.memory_space<vmem>>, %arg18: memref<512x64xf32, #tpu.memory_space<vmem>>, %arg19: memref<512x64xf32, #tpu.memory_space<vmem>>, %arg20: memref<1x512xf32, #tpu.memory_space<vmem>>, %arg21: memref<256x512xf32, #tpu.memory_space<vmem>>, %arg22: memref<1x256xf32, #tpu.memory_space<vmem>>, %arg23: memref<1x256xf32, #tpu.memory_space<vmem>>, %arg24: memref<1x1xf32, #tpu.memory_space<vmem>>, %arg25: memref<1024x1xf32, #tpu.memory_space<vmem>>) attributes {dimension_semantics = [#tpu.dimension_semantics<arbitrary>], iteration_bounds = array<i64: 4>, scalar_prefetch = 0 : i64, scratch_operands = 0 : i64, tpu.core_type = #tpu.core_type<tc>, window_params = [{transform_indices = @transform_0, window_bounds = array<i64: 1024, 1664>}, {transform_indices = @transform_1, window_bounds = array<i64: 1024, 128>}, {pipeline_mode = #tpu.pipeline_mode<synchronous>, transform_indices = @transform_2, window_bounds = array<i64: 1, 128>}, {pipeline_mode = #tpu.pipeline_mode<synchronous>, transform_indices = @transform_3, window_bounds = array<i64: 1, 128>}, {pipeline_mode = #tpu.pipeline_mode<synchronous>, transform_indices = @transform_4, window_bounds = array<i64: 512, 128>}, {pipeline_mode = #tpu.pipeline_mode<synchronous>, transform_indices = @transform_5, window_bounds = array<i64: 1, 512>}, {pipeline_mode = #tpu.pipeline_mode<synchronous>, transform_indices = @transform_6, window_bounds = array<i64: 256, 512>}, {pipeline_mode = #tpu.pipeline_mode<synchronous>, transform_indices = @transform_7, window_bounds = array<i64: 1, 256>}, {pipeline_mode = #tpu.pipeline_mode<synchronous>, transform_indices = @transform_8, window_bounds = array<i64: 64, 256>}, {pipeline_mode = #tpu.pipeline_mode<synchronous>, transform_indices = @transform_9, window_bounds = array<i64: 1, 64>}, {pipeline_mode = #tpu.pipeline_mode<synchronous>, transform_indices = @transform_10, window_bounds = array<i64: 512, 128>}, {pipeline_mode = #tpu.pipeline_mode<synchronous>, transform_indices = @transform_11, window_bounds = array<i64: 1, 512>}, {pipeline_mode = #tpu.pipeline_mode<synchronous>, transform_indices = @transform_12, window_bounds = array<i64: 256, 512>}, {pipeline_mode = #tpu.pipeline_mode<synchronous>, transform_indices = @transform_13, window_bounds = array<i64: 1, 256>}, {pipeline_mode = #tpu.pipeline_mode<synchronous>, transform_indices = @transform_14, window_bounds = array<i64: 64, 256>}, {pipeline_mode = #tpu.pipeline_mode<synchronous>, transform_indices = @transform_15, window_bounds = array<i64: 1, 64>}, {pipeline_mode = #tpu.pipeline_mode<synchronous>, transform_indices = @transform_16, window_bounds = array<i64: 512, 1664>}, {pipeline_mode = #tpu.pipeline_mode<synchronous>, transform_indices = @transform_17, window_bounds = array<i64: 512, 64>}, {pipeline_mode = #tpu.pipeline_mode<synchronous>, transform_indices = @transform_18, window_bounds = array<i64: 512, 64>}, {pipeline_mode = #tpu.pipeline_mode<synchronous>, transform_indices = @transform_19, window_bounds = array<i64: 1, 512>}, {pipeline_mode = #tpu.pipeline_mode<synchronous>, transform_indices = @transform_20, window_bounds = array<i64: 256, 512>}, {pipeline_mode = #tpu.pipeline_mode<synchronous>, transform_indices = @transform_21, window_bounds = array<i64: 1, 256>}, {pipeline_mode = #tpu.pipeline_mode<synchronous>, transform_indices = @transform_22, window_bounds = array<i64: 1, 256>}, {pipeline_mode = #tpu.pipeline_mode<synchronous>, transform_indices = @transform_23, window_bounds = array<i64: 1, 1>}, {transform_indices = @transform_24, window_bounds = array<i64: 1024, 1>}]} {
    %get3A = arith.constant 0 : index
    %get3A_0 = arith.constant 0 : index
    %get3A_1 = vector.load %arg2[%get3A, %get3A_0] : memref<1024x128xf32, #tpu.memory_space<vmem>>, vector<1024x128xf32>
    %get3A_2 = arith.constant 0 : index
    %get3A_3 = arith.constant 0 : index
    %get3A_4 = vector.load %arg3[%get3A_2, %get3A_3] : memref<1x128xf32, #tpu.memory_space<vmem>>, vector<1x128xf32>
    %mul3A = vector.broadcast %get3A_4 : vector<1x128xf32> to vector<1024x128xf32>
    %mul3A_5 = arith.mulf %get3A_1, %mul3A : vector<1024x128xf32>
    %get3A_6 = arith.constant 0 : index
    %get3A_7 = arith.constant 0 : index
    %get3A_8 = vector.load %arg5[%get3A_6, %get3A_7] : memref<512x128xf32, #tpu.memory_space<vmem>>, vector<512x128xf32>
    %dot_general3A = arith.constant dense<0.000000e+00> : vector<1024x512xf32>
    %dot_general3A_9 = tpu.matmul %mul3A_5, %get3A_8, %dot_general3A {dimension_numbers = #tpu.dot_dimension_numbers<[1], [1], [0], [0], [0, 0, 1, 0], [], []>, transpose_lhs_hint = false} : vector<1024x128xf32>, vector<512x128xf32>, vector<1024x512xf32> -> vector<1024x512xf32>
    %get3A_10 = arith.constant 0 : index
    %get3A_11 = arith.constant 0 : index
    %get3A_12 = vector.load %arg6[%get3A_10, %get3A_11] : memref<1x512xf32, #tpu.memory_space<vmem>>, vector<1x512xf32>
    %add3A = vector.broadcast %get3A_12 : vector<1x512xf32> to vector<1024x512xf32>
    %add3A_13 = arith.addf %dot_general3A_9, %add3A : vector<1024x512xf32>
    %max3A = arith.constant 0.000000e+00 : f32
    %max3A_14 = vector.broadcast %max3A : f32 to vector<1024x512xf32>
    %max3A_15 = arith.maximumf %add3A_13, %max3A_14 : vector<1024x512xf32>
    %get3A_16 = arith.constant 0 : index
    %get3A_17 = arith.constant 0 : index
    %get3A_18 = vector.load %arg7[%get3A_16, %get3A_17] : memref<256x512xf32, #tpu.memory_space<vmem>>, vector<256x512xf32>
    %dot_general3A_19 = arith.constant dense<0.000000e+00> : vector<1024x256xf32>
    %dot_general3A_20 = tpu.matmul %max3A_15, %get3A_18, %dot_general3A_19 {dimension_numbers = #tpu.dot_dimension_numbers<[1], [1], [0], [0], [0, 0, 1, 0], [], []>, transpose_lhs_hint = false} : vector<1024x512xf32>, vector<256x512xf32>, vector<1024x256xf32> -> vector<1024x256xf32>
    %get3A_21 = arith.constant 0 : index
    %get3A_22 = arith.constant 0 : index
    %get3A_23 = vector.load %arg8[%get3A_21, %get3A_22] : memref<1x256xf32, #tpu.memory_space<vmem>>, vector<1x256xf32>
    %add3A_24 = vector.broadcast %get3A_23 : vector<1x256xf32> to vector<1024x256xf32>
    %add3A_25 = arith.addf %dot_general3A_20, %add3A_24 : vector<1024x256xf32>
    %max3A_26 = arith.constant 0.000000e+00 : f32
    %max3A_27 = vector.broadcast %max3A_26 : f32 to vector<1024x256xf32>
    %max3A_28 = arith.maximumf %add3A_25, %max3A_27 : vector<1024x256xf32>
    %get3A_29 = arith.constant 0 : index
    %get3A_30 = arith.constant 0 : index
    %get3A_31 = vector.load %arg9[%get3A_29, %get3A_30] : memref<64x256xf32, #tpu.memory_space<vmem>>, vector<64x256xf32>
    %dot_general3A_32 = arith.constant dense<0.000000e+00> : vector<1024x64xf32>
    %dot_general3A_33 = tpu.matmul %max3A_28, %get3A_31, %dot_general3A_32 {dimension_numbers = #tpu.dot_dimension_numbers<[1], [1], [0], [0], [0, 0, 1, 0], [], []>, transpose_lhs_hint = false} : vector<1024x256xf32>, vector<64x256xf32>, vector<1024x64xf32> -> vector<1024x64xf32>
    %get3A_34 = arith.constant 0 : index
    %get3A_35 = arith.constant 0 : index
    %get3A_36 = vector.load %arg10[%get3A_34, %get3A_35] : memref<1x64xf32, #tpu.memory_space<vmem>>, vector<1x64xf32>
    %add3A_37 = vector.broadcast %get3A_36 : vector<1x64xf32> to vector<1024x64xf32>
    %add3A_38 = arith.addf %dot_general3A_33, %add3A_37 : vector<1024x64xf32>
    %max3A_39 = arith.constant 0.000000e+00 : f32
    %max3A_40 = vector.broadcast %max3A_39 : f32 to vector<1024x64xf32>
    %max3A_41 = arith.maximumf %add3A_38, %max3A_40 : vector<1024x64xf32>
    %get3A_42 = arith.constant 0 : index
    %get3A_43 = arith.constant 0 : index
    %get3A_44 = vector.load %arg4[%get3A_42, %get3A_43] : memref<1x128xf32, #tpu.memory_space<vmem>>, vector<1x128xf32>
    %mul3A_45 = vector.broadcast %get3A_44 : vector<1x128xf32> to vector<1024x128xf32>
    %mul3A_46 = arith.mulf %get3A_1, %mul3A_45 : vector<1024x128xf32>
    %get3A_47 = arith.constant 0 : index
    %get3A_48 = arith.constant 0 : index
    %get3A_49 = vector.load %arg11[%get3A_47, %get3A_48] : memref<512x128xf32, #tpu.memory_space<vmem>>, vector<512x128xf32>
    %dot_general3A_50 = arith.constant dense<0.000000e+00> : vector<1024x512xf32>
    %dot_general3A_51 = tpu.matmul %mul3A_46, %get3A_49, %dot_general3A_50 {dimension_numbers = #tpu.dot_dimension_numbers<[1], [1], [0], [0], [0, 0, 1, 0], [], []>, transpose_lhs_hint = false} : vector<1024x128xf32>, vector<512x128xf32>, vector<1024x512xf32> -> vector<1024x512xf32>
    %get3A_52 = arith.constant 0 : index
    %get3A_53 = arith.constant 0 : index
    %get3A_54 = vector.load %arg12[%get3A_52, %get3A_53] : memref<1x512xf32, #tpu.memory_space<vmem>>, vector<1x512xf32>
    %add3A_55 = vector.broadcast %get3A_54 : vector<1x512xf32> to vector<1024x512xf32>
    %add3A_56 = arith.addf %dot_general3A_51, %add3A_55 : vector<1024x512xf32>
    %max3A_57 = arith.constant 0.000000e+00 : f32
    %max3A_58 = vector.broadcast %max3A_57 : f32 to vector<1024x512xf32>
    %max3A_59 = arith.maximumf %add3A_56, %max3A_58 : vector<1024x512xf32>
    %get3A_60 = arith.constant 0 : index
    %get3A_61 = arith.constant 0 : index
    %get3A_62 = vector.load %arg13[%get3A_60, %get3A_61] : memref<256x512xf32, #tpu.memory_space<vmem>>, vector<256x512xf32>
    %dot_general3A_63 = arith.constant dense<0.000000e+00> : vector<1024x256xf32>
    %dot_general3A_64 = tpu.matmul %max3A_59, %get3A_62, %dot_general3A_63 {dimension_numbers = #tpu.dot_dimension_numbers<[1], [1], [0], [0], [0, 0, 1, 0], [], []>, transpose_lhs_hint = false} : vector<1024x512xf32>, vector<256x512xf32>, vector<1024x256xf32> -> vector<1024x256xf32>
    %get3A_65 = arith.constant 0 : index
    %get3A_66 = arith.constant 0 : index
    %get3A_67 = vector.load %arg14[%get3A_65, %get3A_66] : memref<1x256xf32, #tpu.memory_space<vmem>>, vector<1x256xf32>
    %add3A_68 = vector.broadcast %get3A_67 : vector<1x256xf32> to vector<1024x256xf32>
    %add3A_69 = arith.addf %dot_general3A_64, %add3A_68 : vector<1024x256xf32>
    %max3A_70 = arith.constant 0.000000e+00 : f32
    %max3A_71 = vector.broadcast %max3A_70 : f32 to vector<1024x256xf32>
    %max3A_72 = arith.maximumf %add3A_69, %max3A_71 : vector<1024x256xf32>
    %get3A_73 = arith.constant 0 : index
    %get3A_74 = arith.constant 0 : index
    %get3A_75 = vector.load %arg15[%get3A_73, %get3A_74] : memref<64x256xf32, #tpu.memory_space<vmem>>, vector<64x256xf32>
    %dot_general3A_76 = arith.constant dense<0.000000e+00> : vector<1024x64xf32>
    %dot_general3A_77 = tpu.matmul %max3A_72, %get3A_75, %dot_general3A_76 {dimension_numbers = #tpu.dot_dimension_numbers<[1], [1], [0], [0], [0, 0, 1, 0], [], []>, transpose_lhs_hint = false} : vector<1024x256xf32>, vector<64x256xf32>, vector<1024x64xf32> -> vector<1024x64xf32>
    %get3A_78 = arith.constant 0 : index
    %get3A_79 = arith.constant 0 : index
    %get3A_80 = vector.load %arg16[%get3A_78, %get3A_79] : memref<1x64xf32, #tpu.memory_space<vmem>>, vector<1x64xf32>
    %add3A_81 = vector.broadcast %get3A_80 : vector<1x64xf32> to vector<1024x64xf32>
    %add3A_82 = arith.addf %dot_general3A_77, %add3A_81 : vector<1024x64xf32>
    %max3A_83 = arith.constant 0.000000e+00 : f32
    %max3A_84 = vector.broadcast %max3A_83 : f32 to vector<1024x64xf32>
    %max3A_85 = arith.maximumf %add3A_82, %max3A_84 : vector<1024x64xf32>
    %get3A_86 = arith.constant 0 : index
    %get3A_87 = arith.constant 0 : index
    %get3A_88 = vector.load %arg1[%get3A_86, %get3A_87] : memref<1024x1664xf32, #tpu.memory_space<vmem>>, vector<1024x1664xf32>
    %get3A_89 = arith.constant 0 : index
    %get3A_90 = arith.constant 0 : index
    %get3A_91 = vector.load %arg17[%get3A_89, %get3A_90] : memref<512x1664xf32, #tpu.memory_space<vmem>>, vector<512x1664xf32>
    %dot_general3A_92 = arith.constant dense<0.000000e+00> : vector<1024x512xf32>
    %dot_general3A_93 = tpu.matmul %get3A_88, %get3A_91, %dot_general3A_92 {dimension_numbers = #tpu.dot_dimension_numbers<[1], [1], [0], [0], [0, 0, 1, 0], [], []>, transpose_lhs_hint = false} : vector<1024x1664xf32>, vector<512x1664xf32>, vector<1024x512xf32> -> vector<1024x512xf32>
    %get3A_94 = arith.constant 0 : index
    %get3A_95 = arith.constant 0 : index
    %get3A_96 = vector.load %arg18[%get3A_94, %get3A_95] : memref<512x64xf32, #tpu.memory_space<vmem>>, vector<512x64xf32>
    %dot_general3A_97 = arith.constant dense<0.000000e+00> : vector<1024x512xf32>
    %dot_general3A_98 = tpu.matmul %max3A_41, %get3A_96, %dot_general3A_97 {dimension_numbers = #tpu.dot_dimension_numbers<[1], [1], [0], [0], [0, 0, 1, 0], [], []>, transpose_lhs_hint = false} : vector<1024x64xf32>, vector<512x64xf32>, vector<1024x512xf32> -> vector<1024x512xf32>
    %get3A_99 = arith.constant 0 : index
    %get3A_100 = arith.constant 0 : index
    %get3A_101 = vector.load %arg19[%get3A_99, %get3A_100] : memref<512x64xf32, #tpu.memory_space<vmem>>, vector<512x64xf32>
    %dot_general3A_102 = arith.constant dense<0.000000e+00> : vector<1024x512xf32>
    %dot_general3A_103 = tpu.matmul %max3A_85, %get3A_101, %dot_general3A_102 {dimension_numbers = #tpu.dot_dimension_numbers<[1], [1], [0], [0], [0, 0, 1, 0], [], []>, transpose_lhs_hint = false} : vector<1024x64xf32>, vector<512x64xf32>, vector<1024x512xf32> -> vector<1024x512xf32>
    %add3A_104 = arith.addf %dot_general3A_98, %dot_general3A_103 : vector<1024x512xf32>
    %get3A_105 = arith.constant 0 : index
    %get3A_106 = arith.constant 0 : index
    %get3A_107 = vector.load %arg20[%get3A_105, %get3A_106] : memref<1x512xf32, #tpu.memory_space<vmem>>, vector<1x512xf32>
    %add3A_108 = vector.broadcast %get3A_107 : vector<1x512xf32> to vector<1024x512xf32>
    %add3A_109 = arith.addf %add3A_104, %add3A_108 : vector<1024x512xf32>
    %add3A_110 = arith.addf %dot_general3A_93, %add3A_109 : vector<1024x512xf32>
    %max3A_111 = arith.constant 0.000000e+00 : f32
    %max3A_112 = vector.broadcast %max3A_111 : f32 to vector<1024x512xf32>
    %max3A_113 = arith.maximumf %add3A_110, %max3A_112 : vector<1024x512xf32>
    %get3A_114 = arith.constant 0 : index
    %get3A_115 = arith.constant 0 : index
    %get3A_116 = vector.load %arg21[%get3A_114, %get3A_115] : memref<256x512xf32, #tpu.memory_space<vmem>>, vector<256x512xf32>
    %dot_general3A_117 = arith.constant dense<0.000000e+00> : vector<1024x256xf32>
    %dot_general3A_118 = tpu.matmul %max3A_113, %get3A_116, %dot_general3A_117 {dimension_numbers = #tpu.dot_dimension_numbers<[1], [1], [0], [0], [0, 0, 1, 0], [], []>, transpose_lhs_hint = false} : vector<1024x512xf32>, vector<256x512xf32>, vector<1024x256xf32> -> vector<1024x256xf32>
    %get3A_119 = arith.constant 0 : index
    %get3A_120 = arith.constant 0 : index
    %get3A_121 = vector.load %arg22[%get3A_119, %get3A_120] : memref<1x256xf32, #tpu.memory_space<vmem>>, vector<1x256xf32>
    %add3A_122 = vector.broadcast %get3A_121 : vector<1x256xf32> to vector<1024x256xf32>
    %add3A_123 = arith.addf %dot_general3A_118, %add3A_122 : vector<1024x256xf32>
    %max3A_124 = arith.constant 0.000000e+00 : f32
    %max3A_125 = vector.broadcast %max3A_124 : f32 to vector<1024x256xf32>
    %max3A_126 = arith.maximumf %add3A_123, %max3A_125 : vector<1024x256xf32>
    %get3A_127 = arith.constant 0 : index
    %get3A_128 = arith.constant 0 : index
    %get3A_129 = vector.load %arg23[%get3A_127, %get3A_128] : memref<1x256xf32, #tpu.memory_space<vmem>>, vector<1x256xf32>
    %mul3A_130 = vector.broadcast %get3A_129 : vector<1x256xf32> to vector<1024x256xf32>
    %mul3A_131 = arith.mulf %max3A_126, %mul3A_130 : vector<1024x256xf32>
    %reduce_sum3A = arith.constant dense<0.000000e+00> : vector<1024xf32>
    %reduce_sum3A_132 = vector.multi_reduction <add>, %mul3A_131, %reduce_sum3A [1] : vector<1024x256xf32> to vector<1024xf32>
    %broadcast_in_dim3A = vector.shape_cast %reduce_sum3A_132 : vector<1024xf32> to vector<1024x1xf32>
    %get3A_133 = arith.constant 0 : index
    %get3A_134 = arith.constant 0 : index
    %get3A_135 = vector.load %arg24[%get3A_133, %get3A_134] : memref<1x1xf32, #tpu.memory_space<vmem>>, vector<1x1xf32>
    %get3A_136 = vector.extract %get3A_135[0, 0] : f32 from vector<1x1xf32>
    %add3A_137 = vector.broadcast %get3A_136 : f32 to vector<1024x1xf32>
    %add3A_138 = arith.addf %broadcast_in_dim3A, %add3A_137 : vector<1024x1xf32>
    %swap3A = arith.constant 0 : index
    %swap3A_139 = arith.constant 0 : index
    %swap3A_140 = vector.load %arg25[%swap3A, %swap3A_139] : memref<1024x1xf32, #tpu.memory_space<vmem>>, vector<1024x1xf32>
    tpu.vector_store %arg25[%swap3A, %swap3A_139], %add3A_138 {strides = array<i32>} : memref<1024x1xf32, #tpu.memory_space<vmem>>, vector<1024x1xf32>,
    return
  }
  func.func @transform_0(%arg0: i32) -> (i32, i32) {
    %c0_i32 = arith.constant 0 : i32
    %c0_i32_0 = arith.constant 0 : i32
    return %arg0, %c0_i32 : i32, i32
  }
  func.func @transform_1(%arg0: i32) -> (i32, i32) {
    %c0_i32 = arith.constant 0 : i32
    %c0_i32_0 = arith.constant 0 : i32
    return %arg0, %c0_i32 : i32, i32
  }
  func.func @transform_2(%arg0: i32) -> (i32, i32) {
    %c0_i32 = arith.constant 0 : i32
    %c0_i32_0 = arith.constant 0 : i32
    %c0_i32_1 = arith.constant 0 : i32
    return %c0_i32, %c0_i32_0 : i32, i32
  }
  func.func @transform_3(%arg0: i32) -> (i32, i32) {
    %c0_i32 = arith.constant 0 : i32
    %c0_i32_0 = arith.constant 0 : i32
    %c0_i32_1 = arith.constant 0 : i32
    return %c0_i32, %c0_i32_0 : i32, i32
  }
  func.func @transform_4(%arg0: i32) -> (i32, i32) {
    %c0_i32 = arith.constant 0 : i32
    %c0_i32_0 = arith.constant 0 : i32
    %c0_i32_1 = arith.constant 0 : i32
    return %c0_i32, %c0_i32_0 : i32, i32
  }
  func.func @transform_5(%arg0: i32) -> (i32, i32) {
    %c0_i32 = arith.constant 0 : i32
    %c0_i32_0 = arith.constant 0 : i32
    %c0_i32_1 = arith.constant 0 : i32
    return %c0_i32, %c0_i32_0 : i32, i32
  }
  func.func @transform_6(%arg0: i32) -> (i32, i32) {
    %c0_i32 = arith.constant 0 : i32
    %c0_i32_0 = arith.constant 0 : i32
    %c0_i32_1 = arith.constant 0 : i32
    return %c0_i32, %c0_i32_0 : i32, i32
  }
  func.func @transform_7(%arg0: i32) -> (i32, i32) {
    %c0_i32 = arith.constant 0 : i32
    %c0_i32_0 = arith.constant 0 : i32
    %c0_i32_1 = arith.constant 0 : i32
    return %c0_i32, %c0_i32_0 : i32, i32
  }
  func.func @transform_8(%arg0: i32) -> (i32, i32) {
    %c0_i32 = arith.constant 0 : i32
    %c0_i32_0 = arith.constant 0 : i32
    %c0_i32_1 = arith.constant 0 : i32
    return %c0_i32, %c0_i32_0 : i32, i32
  }
  func.func @transform_9(%arg0: i32) -> (i32, i32) {
    %c0_i32 = arith.constant 0 : i32
    %c0_i32_0 = arith.constant 0 : i32
    %c0_i32_1 = arith.constant 0 : i32
    return %c0_i32, %c0_i32_0 : i32, i32
  }
  func.func @transform_10(%arg0: i32) -> (i32, i32) {
    %c0_i32 = arith.constant 0 : i32
    %c0_i32_0 = arith.constant 0 : i32
    %c0_i32_1 = arith.constant 0 : i32
    return %c0_i32, %c0_i32_0 : i32, i32
  }
  func.func @transform_11(%arg0: i32) -> (i32, i32) {
    %c0_i32 = arith.constant 0 : i32
    %c0_i32_0 = arith.constant 0 : i32
    %c0_i32_1 = arith.constant 0 : i32
    return %c0_i32, %c0_i32_0 : i32, i32
  }
  func.func @transform_12(%arg0: i32) -> (i32, i32) {
    %c0_i32 = arith.constant 0 : i32
    %c0_i32_0 = arith.constant 0 : i32
    %c0_i32_1 = arith.constant 0 : i32
    return %c0_i32, %c0_i32_0 : i32, i32
  }
  func.func @transform_13(%arg0: i32) -> (i32, i32) {
    %c0_i32 = arith.constant 0 : i32
    %c0_i32_0 = arith.constant 0 : i32
    %c0_i32_1 = arith.constant 0 : i32
    return %c0_i32, %c0_i32_0 : i32, i32
  }
  func.func @transform_14(%arg0: i32) -> (i32, i32) {
    %c0_i32 = arith.constant 0 : i32
    %c0_i32_0 = arith.constant 0 : i32
    %c0_i32_1 = arith.constant 0 : i32
    return %c0_i32, %c0_i32_0 : i32, i32
  }
  func.func @transform_15(%arg0: i32) -> (i32, i32) {
    %c0_i32 = arith.constant 0 : i32
    %c0_i32_0 = arith.constant 0 : i32
    %c0_i32_1 = arith.constant 0 : i32
    return %c0_i32, %c0_i32_0 : i32, i32
  }
  func.func @transform_16(%arg0: i32) -> (i32, i32) {
    %c0_i32 = arith.constant 0 : i32
    %c0_i32_0 = arith.constant 0 : i32
    %c0_i32_1 = arith.constant 0 : i32
    return %c0_i32, %c0_i32_0 : i32, i32
  }
  func.func @transform_17(%arg0: i32) -> (i32, i32) {
    %c0_i32 = arith.constant 0 : i32
    %c0_i32_0 = arith.constant 0 : i32
    %c0_i32_1 = arith.constant 0 : i32
    return %c0_i32, %c0_i32_0 : i32, i32
  }
  func.func @transform_18(%arg0: i32) -> (i32, i32) {
    %c0_i32 = arith.constant 0 : i32
    %c0_i32_0 = arith.constant 0 : i32
    %c0_i32_1 = arith.constant 0 : i32
    return %c0_i32, %c0_i32_0 : i32, i32
  }
  func.func @transform_19(%arg0: i32) -> (i32, i32) {
    %c0_i32 = arith.constant 0 : i32
    %c0_i32_0 = arith.constant 0 : i32
    %c0_i32_1 = arith.constant 0 : i32
    return %c0_i32, %c0_i32_0 : i32, i32
  }
  func.func @transform_20(%arg0: i32) -> (i32, i32) {
    %c0_i32 = arith.constant 0 : i32
    %c0_i32_0 = arith.constant 0 : i32
    %c0_i32_1 = arith.constant 0 : i32
    return %c0_i32, %c0_i32_0 : i32, i32
  }
  func.func @transform_21(%arg0: i32) -> (i32, i32) {
    %c0_i32 = arith.constant 0 : i32
    %c0_i32_0 = arith.constant 0 : i32
    %c0_i32_1 = arith.constant 0 : i32
    return %c0_i32, %c0_i32_0 : i32, i32
  }
  func.func @transform_22(%arg0: i32) -> (i32, i32) {
    %c0_i32 = arith.constant 0 : i32
    %c0_i32_0 = arith.constant 0 : i32
    %c0_i32_1 = arith.constant 0 : i32
    return %c0_i32, %c0_i32_0 : i32, i32
  }
  func.func @transform_23(%arg0: i32) -> (i32, i32) {
    %c0_i32 = arith.constant 0 : i32
    %c0_i32_0 = arith.constant 0 : i32
    %c0_i32_1 = arith.constant 0 : i32
    return %c0_i32, %c0_i32_0 : i32, i32
  }
  func.func @transform_24(%arg0: i32) -> (i32, i32) {
    %c0_i32 = arith.constant 0 : i32
    %c0_i32_0 = arith.constant 0 : i32
    return %arg0, %c0_i32 : i32, i32
  }
}

</mosaic_0001>

<sc_bundles>
// kernel: kernel.4.cloned.1.call-start
scs
__scs_entry_jumppad:
0x0: {  	(pc) =	sbr.rel $0x88, $3  }
0x1: {  	(tag) =	ssettag $0x0;
	lr =	simm.s32 $0x1  }
0x2: {  	[smem:$0x3F8A] =	sst lr;
	_ =	strace $0xD0000000  }
0x3: {  	_ = 	snop  }
0x4: {  	_ = 	snop  }
0x5: {  	_ = 	snop  }
0x6: {  	_ = 	snop  }
0x7: {  	_ = 	snop  }
__scs_overlays_trampoline_lowered:
0x8: {  	[smem:$0x3F99] =	sst s0  }
0x9: {  	[smem:$0x3F9A] =	sst s1  }
0xa: {  	[smem:$0x3F9B] =	sst s2  }
0xb: {  	[smem:$0x3F9C] =	sst s3  }
0xc: {  	[smem:$0x3F9D] =	sst s4  }
0xd: {  	[smem:$0x3F9E] =	sst s5  }
0xe: {  	[smem:$0x3F9F] =	sst s6  }
0xf: {  	[smem:$0x3FA0] =	sst s7  }
0x10: {  	[smem:$0x3FA1] =	sst s8  }
0x11: {  	[smem:$0x3FA2] =	sst s9;
	s0 =	simm.s32 @!p0 $0x0  }
0x12: {  	s1 =	sld [smem:$0x3F88];
	s0 =	simm.s32 @p0 $0x1  }
0x13: {  	[smem:$0x3FA3] =	sst s0;
	s0 =	simm.s32 @!p1 $0x0  }
0x14: {  	s2 =	sld [smem:$0x3F87];
	s0 =	simm.s32 @p1 $0x1  }
0x15: {  	[smem:$0x3FA4] =	sst s0;
	s0 =	simm.s32 @!p2 $0x0  }
0x16: {  	s3 =	sld [smem:$0x3FDB];
	s0 =	simm.s32 @p2 $0x1  }
0x17: {  	s4 =	simm.s32 $0x1BF5;
	[smem:$0x3FA6] =	sst s0  }
0x18: {  	s0 =	sld [smem:$0x3F89];
	_ =	swait.ge [sflag:s4], $0x0  }
0x19: {  	s7 =	sld [smem:$0x3F8A]  }
0x1a: {  	s8 =	sadd.s32 $0xFFFFE003, lr  }
0x1b: {  	s9 =	sadd.s32 $0xFFFFFEF7, lr;
	s5 =	simm.s32 $0xFFFFFFFF;
	p2 =	slt.u32 s8, $0xFFFFF086  }
0x1c: {  	p1 =	slt.u32 s9, $0xF7A;
	s5 =	simm.s32 @!p2 $0x0  }
0x1d: {  	s5 =	simm.s32 @p1 $0x1;
	p0 =	seq.s32 s7, s2  }
0x1e: {  	s7 =	smul.u32 @!p0 $0xF7A, s2;
	p2 =	seq.s32 @!p0 s5, $0x0  }
0x1f: {  	s9 =	smul.u32 $0xF7A, s1;
	s8 =	simm.s32 @!p0 $0x1BF5;
	p2 =	por !p2, p0  }
0x20: {  	[sflag:s8] =	ssyncset.s32 @!p0 $0xFFFFF086;
	s6 =	sadd.s32 @!p0 s3, s7;
	s7 =	simm.s32 @!p0 $0x108  }
0x21: {  	s3 =	sadd.s32 s3, s9;
	s6 =	sadd.s32 @!p0 $0x88, s6;
	s7 =	simm.s32 @p2 $0x1082  }
0x22: {  	[simem:s7], [sflag:s8] =	dma.local @!p0 [hbm:s6], $0xF7A  }
0x23: {  	s9 =	sor.u32 $0xD0000000, s2;
	s6 =	simm.s32 $0x108;
	_ =	swait.ge @!p0 [sflag:s8], $0x0  }
0x24: {  	s3 =	sadd.s32 $0x88, s3;
	s6 =	simm.s32 @!p1 $0x1082;
	[sflag:s4] =	ssyncset.s32 $0xFFFFF086  }
0x25: {  	[simem:s6], [sflag:s4] =	dma.local [hbm:s3], $0xF7A  }
0x26: {  	[smem:$0x3F8A] =	sst s1;
	(tag) =	ssettag s2;
	_ =	strace s9  }
0x27: {  	s1 =	sld [smem:$0x3F9A]  }
0x28: {  	s2 =	sld [smem:$0x3F9B]  }
0x29: {  	s4 =	sld [smem:$0x3F9D]  }
0x2a: {  	p0 =	seq.s32 s5, $0x0;
	s5 =	sld [smem:$0x3F9E]  }
0x2b: {  	s6 =	sld [smem:$0x3F9F]  }
0x2c: {  	s7 =	sld [smem:$0x3FA0]  }
0x2d: {  	s3 =	simm.s32 $0x108;
	s8 =	sld [smem:$0x3FA1]  }
0x2e: {  	s3 =	simm.s32 @!p0 $0x1082;
	s9 =	sld [smem:$0x3FA2]  }
0x2f: {  	lr =	sadd.s32 s0, s3;
	s0 =	sld [smem:$0x3F99]  }
0x30: {  	s3 =	sld [smem:$0x3F9C]  }
0x31: {  	[smem:$0x3FA5] =	sst s10  }
0x32: {  	s10 =	sld [smem:$0x3FA3];
	_ =	sdelay $0x3  }
0x33: {  	p0 =	seq.s32 s10, $0x1;
	s10 =	sld [smem:$0x3FA5];
	_ =	sdelay $0x3  }
0x34: {  	[smem:$0x3FA5] =	sst s10  }
0x35: {  	s10 =	sld [smem:$0x3FA4];
	_ =	sdelay $0x3  }
0x36: {  	p1 =	seq.s32 s10, $0x1;
	s10 =	sld [smem:$0x3FA5];
	_ =	sdelay $0x3  }
0x37: {  	[smem:$0x3FA5] =	sst s10  }
0x38: {  	s10 =	sld [smem:$0x3FA6]  }
0x39: {  	_ = 	snop;
	(pc) =	sbr.ind lr, $3  }
0x3a: {  	_ = 	snop  }
0x3b: {  	_ = 	snop  }
0x3c: {  	p2 =	seq.s32 s10, $0x1;
	s10 =	sld [smem:$0x3FA5]  }
0x3d: {  	_ =	shalt  }
0x3e: {  	_ =	shalt  }
0x3f: {  	_ =	shalt  }
0x40: {  	_ =	shalt  }
0x41: {  	_ =	shalt  }
0x42: {  	_ =	shalt  }
0x43: {  	_ =	shalt  }
0x44: {  	_ =	shalt  }
0x45: {  	_ =	shalt  }
0x46: {  	_ =	shalt  }
0x47: {  	_ =	shalt  }
0x48: {  	_ =	shalt  }
0x49: {  	_ =	shalt  }
0x4a: {  	_ =	shalt  }
0x4b: {  	_ =	shalt  }
0x4c: {  	_ =	shalt  }
0x4d: {  	_ =	shalt  }
0x4e: {  	_ =	shalt  }
0x4f: {  	_ =	shalt  }
0x50: {  	_ =	shalt  }
0x51: {  	_ =	shalt  }
0x52: {  	_ =	shalt  }
0x53: {  	_ =	shalt  }
0x54: {  	_ =	shalt  }
0x55: {  	_ =	shalt  }
0x56: {  	_ =	shalt  }
0x57: {  	_ =	shalt  }
0x58: {  	_ =	shalt  }
0x59: {  	_ =	shalt  }
0x5a: {  	_ =	shalt  }
0x5b: {  	_ =	shalt  }
0x5c: {  	_ =	shalt  }
0x5d: {  	_ =	shalt  }
0x5e: {  	_ =	shalt  }
0x5f: {  	_ =	shalt  }
0x60: {  	_ =	shalt  }
0x61: {  	_ =	shalt  }
0x62: {  	_ =	shalt  }
0x63: {  	_ =	shalt  }
0x64: {  	_ =	shalt  }
0x65: {  	_ =	shalt  }
0x66: {  	_ =	shalt  }
0x67: {  	_ =	shalt  }
0x68: {  	_ =	shalt  }
0x69: {  	_ =	shalt  }
0x6a: {  	_ =	shalt  }
0x6b: {  	_ =	shalt  }
0x6c: {  	_ =	shalt  }
0x6d: {  	_ =	shalt  }
0x6e: {  	_ =	shalt  }
0x6f: {  	_ =	shalt  }
0x70: {  	_ =	shalt  }
0x71: {  	_ =	shalt  }
0x72: {  	_ =	shalt  }
0x73: {  	_ =	shalt  }
0x74: {  	_ =	shalt  }
0x75: {  	_ =	shalt  }
0x76: {  	_ =	shalt  }
0x77: {  	_ =	shalt  }
0x78: {  	_ =	shalt  }
0x79: {  	_ =	shalt  }
0x7a: {  	_ =	shalt  }
0x7b: {  	_ =	shalt  }
0x7c: {  	_ =	shalt  }
0x7d: {  	_ =	shalt  }
0x7e: {  	_ =	shalt  }
0x7f: {  	_ =	shalt  }
0x80: {  	_ =	shalt  }
0x81: {  	_ =	shalt  }
0x82: {  	_ =	shalt  }
0x83: {  	_ =	shalt  }
0x84: {  	_ =	shalt  }
0x85: {  	_ =	shalt  }
0x86: {  	_ =	shalt  }
0x87: {  	_ =	shalt  }
.Lfunc_end0:
.L_simem_size_0:
called_computation_lowered:
.L_overlay_start_0:
0x88: {  	s2 =	sld [smem:$0x3FD9]  }
0x89: {  	s3 =	sld [smem:$0x3FFE];
	_ =	sdelay $0x1  }
0x8a: {  	s1 =	srdreg.scid  }
0x8b: {  	s0 =	sand.u32 $0x1, s1  }
0x8c: {  	s17 =	sshll.u32 s0, $0xA;
	s2 =	sadd.s32 s3, s2  }
0x8d: {  	s2 =	sadd.s32 s2, s17  }
0x8e: {  	[smem:$0x3FB1] =	sst s2  }
0x8f: {  	_ = 	snop  }
0x90: {  	s2 =	sld [smem:$0x3FD0];
	(tm) =	ssettm $0x1  }
0x91: {  	s18 =	sld [smem:$0x3FFB];
	_ =	sdelay $0x3  }
0x92: {  	_ =	strace s18  }
0x93: {  	s3 =	sld [smem:$0x3FFC];
	_ =	sdelay $0x3  }
0x94: {  	_ =	strace s3  }
0x95: {  	s3 =	sld [smem:$0x3FFD];
	_ =	sdelay $0x3  }
0x96: {  	_ =	strace s3  }
0x97: {  	_ =	strace $0x8FFFFFFF  }
0x98: {  	s19 =	sld [smem:$0x3FDB];
	_ =	sdelay $0x1  }
0x99: {  	s4 =	simm.s32 $_scs_section_size  }
0x9a: {  	s5 =	simm.s32 $_size__tile_overlayer_lowered;
	s6 =	simm.s32 $_tile_overlayer_lowered  }
0x9b: {  	s22 =	simm.s32 $0x1BFF;
	s21 =	sshll.u32 s6, $0x1;
	s3 =	sadd.s32 s4, s19  }
0x9c: {  	s7 =	simm.s32 $0x0;
	s20 =	sshll.u32 s5, $0x1;
	s5 =	sadd.s32 s21, s3  }
0x9d: {  	[timem:s7], [sflag:s22] =	dma.local [hbm:s5], s20  }
0x9e: {  	_ =	swait.ge [sflag:s22], s20  }
0x9f: {  	s4 =	ssub.s32 $0x0, s20;
	[sflag:s22] =	ssyncset.done $0x0  }
0xa0: {  	[sflag:s22] =	ssyncadd.s32 s4;
	_ =	sdelay $0x1  }
0xa1: {  	s23 =	simm.s32 $0x1B8B  }
0xa2: {  	_ =	swait.ge [sflag:s23], $0x1  }
0xa3: {  	[sflag:s23] =	ssyncset.done $0x0  }
0xa4: {  	s25 =	simm.s32 $0x1B8E;
	s24 =	sld [smem:$0x3FFE];
	[sflag:s23] =	ssyncadd.s32 $0xFFFFFFFF  }
0xa5: {  	s26 =	simm.s32 $execute0_lowered;
	[smem:$0x3FD2] =	sst s25  }
0xa6: {  	s5 =	sshll.u32 s26, $0x1;
	_ =	strace $0x80000046;
	[dreg:$0x1] =	wrdreg $0xFFFFFFFF  }
0xa7: {  	s28 =	simm.s32 $_size_execute0_lowered;
	s3 =	sadd.s32 s3, s5;
	[dreg:$0x0] =	wrdreg $0x0  }
0xa8: {  	s5 =	sshll.u32 s28, $0x1;
	[dreg:$0x2] =	wrdreg s3  }
0xa9: {  	[dreg:$0x3] =	wrdreg s5  }
0xaa: {  	[dreg:$0x4] =	wrdreg $0xC0  }
0xab: {  	_ =	task [dreg:s7], $0x5FFFF  }
0xac: {  	[dreg:$0x1] =	wrdreg $0xFFFFFFFF  }
0xad: {  	[dreg:$0x0] =	wrdreg $0x60  }
0xae: {  	[dreg:$0x2] =	wrdreg s24  }
0xaf: {  	[dreg:$0x3] =	wrdreg s2  }
0xb0: {  	[dreg:$0x4] =	wrdreg $0x9  }
0xb1: {  	_ =	task.clear_ibuf [dreg:s7], $0x5FFFF;
	_ =	strace $0x90000046  }
0xb2: {  	s29 =	simm.s32 $0x9;
	_ =	strace $0x80000048  }
0xb3: {  	_ =	swait.ge [sflag:s29], $0x1  }
0xb4: {  	[sflag:s29] =	ssyncadd.s32 $0xFFFFFFFF  }
0xb5: {  	_ =	strace $0x90000048  }
0xb6: {  	_ =	sfence  }
0xb7: {  	s30 =	sld [smem:$0x0];
	_ =	sdelay $0x2  }
0xb8: {  	s31 =	sshll.u32 s1, $0xD;
	s1 =	sshrl.u32 s1, $0x2  }
0xb9: {  	s3 =	sand.u32 $0x4000, s31;
	s1 =	sadd.s32 s1, s30  }
0xba: {  	s0 =	sor.u32 s3, s0;
	s1 =	sshll.u32 s1, $0x11  }
0xbb: {  	s0 =	sor.u32 s1, s0  }
0xbc: {  	s0 =	sadd.s32 $0x8F2B, s0  }
0xbd: {  	[sflag:s0] =	ssyncadd.remote.s32 $0x1  }
0xbe: {  	_ =	sfence.sel $0xFFFF  }
0xbf: {  	[dreg:$0x0] =	wrdreg $0xFFFFFFFF;
	(pc) =	sbr.abs _section_cstart, $3  }
0xc0: {  	[dreg:$0x1] =	wrdreg $0xFFFFFFFF  }
0xc1: {  	_ =	task.clear_ibuf [dreg:s7], $0x2FFFF;
	_ =	strace $0x9FFFFFFF  }
0xc2: {  	(tm) =	ssettm $0x7FFFFFFF  }
0xc3: {  	_ =	shalt  }
tec
execute0_lowered:
.L_overlay_start_1:
0x0: {  	(tag) =	ssettag $0x1  }
0x1: {  	s0 =	rddreg [dreg:$0x0];
	s1 =	srdreg.scid  }
0x2: {  	s3 =	simm.s32 $0x0;
	s4 =	stileid.u32;
	s11 =	simm.s32 $0x5  }
0x3: {  	s13 =	simm.s32 $0x68;
	s14 =	simm.s32 $0x1A00;
	s15 =	simm.s32 $0x3400  }
0x4: {  	s17 =	simm.s32 $0x4E00;
	s19 =	simm.s32 $0x6800;
	s21 =	simm.s32 $0x8200  }
0x5: {  	s23 =	simm.s32 $0x9C00;
	s28 =	simm.s32 $0xD000;
	s30 =	simm.s32 $0xEA00  }
0x6: {  	s16 =	simm.s32 $0x13800;
	s20 =	simm.s32 $0x15200;
	s29 =	simm.s32 $0x18600  }
0x7: {  	s12 =	simm.s32 $0x1;
	s18 =	simm.s32 $0x2;
	s1 =	sand.u32 $0x1, s1  }
0x8: {  	s22 =	simm.s32 $0x3;
	s31 =	simm.s32 $0x0;
	s2 =	sshll.u32 s1, $0x4  }
0x9: {  	[smem:$0x7FF] =	sst s3;
	s1 =	ssub.s32 $0x2, s1;
	s2 =	sor.u32 s4, s2  }
0xa: {  	s7 =	sadd.s32 $0x6800, s0;
	s8 =	sshrl.u32 s1, $0x1;
	s5 =	smul.u32 $0x34000, s2  }
0xb: {  	_ =	strace $0x80000047;
	s6 =	smul.u32 $0x1A0, s2;
	s1 =	ssub.s32 s1, s8  }
0xc: {  	s4 =	sadd.s32 $0x27AF800, s0;
	s2 =	smul.u32 $0x6800, s2;
	s10 =	smax.u32 s1, $0x1  }
0xd: {  	s1 =	simm.s32 $0x11E00;
	s5 =	sshrl.u32 s5, $0x3;
	s0 =	sadd.s32 s6, s0  }
0xe: {  	s24 =	sadd.s32 s7, s2;
	s2 =	simm.s32 $0x1A000;
	s5 =	sadd.s32 s7, s5  }
0xf: {  	s0 =	sadd.s32 $0x3400, s0;
	[dreg:$0x4] =	wrdreg s24;
	s24 =	simm.s32 $0x16C00  }
0x10: {  	[dreg:$0x3] =	wrdreg s0;
	s25 =	sadd.s32 $0x1A00, s5;
	s26 =	sadd.s32 $0x3400, s5  }
0x11: {  	s9 =	sadd.s32 $0x4E00, s5;
	s0 =	simm.s32 $0x10400;
	[dreg:$0x5] =	wrdreg s25  }
0x12: {  	[dreg:$0x6] =	wrdreg s26;
	s25 =	simm.s32 $0xB600;
	s26 =	simm.s32 $0x4  }
.LBB2_1:
0x13: {  	s5 =	rddreg [dreg:$0x3]  }
0x14: {  	[tilespmem:s3], [sflag:$0x5] =	stream.linear.gather [hbm4b:s5+s3], $0xD00, $0x38;
	[tilespmem:$0x1BA00] =	vst v63  }
0x15: {  	_ =	swait.ge [sflag:s11], $0xD00  }
0x16: {  	[sflag:s11] =	ssyncset.done $0x0  }
0x17: {  	[sflag:s11] =	ssyncadd.s32 $0xFFFFF300  }
0x18: {  	s6 =	simm.s32 $0xD00;
	s8 =	rddreg [dreg:$0x1]  }
0x19: {  	[tilespmem:s6], [sflag:$0x5] =	stream.linear.gather [hbm4b:s8+s3], $0xD00, $0x38;
	[tilespmem:$0x1BA00] =	vst v63  }
0x1a: {  	_ =	swait.ge [sflag:s11], $0xD00  }
0x1b: {  	[sflag:s11] =	ssyncset.done $0x0  }
0x1c: {  	s5 =	simm.s32 $0x20;
	[sflag:s11] =	ssyncadd.s32 $0xFFFFF300  }
0x1d: {  	s6 =	simm.s32 $0xD20;
	v0 =	vld [tilespmem:s5+$0xFFFFFFE0]  }
0x1e: {  	v1 =	vld [tilespmem:s6+$0xFFFFFFE0];
	_ =	sdelay $0x4  }
0x1f: {  	v0 =	vadd.s32 v0, v1  }
0x20: {  	[tilespmem:s5+$0xFFFFFFE0] =	vst v0;
	v0 =	vld [tilespmem:s5+$0xFFFFFFF0]  }
0x21: {  	v1 =	vld [tilespmem:s6+$0xFFFFFFF0];
	_ =	sdelay $0x4  }
0x22: {  	v0 =	vadd.s32 v0, v1  }
0x23: {  	[tilespmem:s5+$0xFFFFFFF0] =	vst v0;
	v0 =	vld [tilespmem:s5+$0x0]  }
0x24: {  	v1 =	vld [tilespmem:s6+$0x0];
	_ =	sdelay $0x4  }
0x25: {  	v0 =	vadd.s32 v0, v1  }
0x26: {  	[tilespmem:s5+$0x0] =	vst v0;
	v0 =	vld [tilespmem:s5+$0x10]  }
0x27: {  	v1 =	vld [tilespmem:s6+$0x10];
	_ =	sdelay $0x4  }
0x28: {  	s7 =	simm.s32 $0x0;
	s8 =	simm.s32 $0x60;
	v0 =	vadd.s32 v0, v1  }
.LBB2_2:
0x29: {  	v1 =	vld [tilespmem:s8+$0xFFFFFFE0];
	[tilespmem:s5+$0x10] =	vst v0;
	s6 =	sadd.s32 $0x40, s6;
	s5 =	smov.u32 s8  }
0x2a: {  	s7 =	sadd.s32 $0x4, s7;
	v0 =	vld [tilespmem:s6+$0xFFFFFFE0]  }
0x2b: {  	p0 =	slt.u32 s7, $0xCC;
	_ =	sdelay $0x3  }
0x2c: {  	v0 =	vadd.s32 v1, v0  }
0x2d: {  	[tilespmem:s8+$0xFFFFFFE0] =	vst v0;
	v0 =	vld [tilespmem:s8+$0xFFFFFFF0]  }
0x2e: {  	v1 =	vld [tilespmem:s6+$0xFFFFFFF0];
	_ =	sdelay $0x4  }
0x2f: {  	v0 =	vadd.s32 v0, v1  }
0x30: {  	[tilespmem:s8+$0xFFFFFFF0] =	vst v0;
	v0 =	vld [tilespmem:s8+$0x0]  }
0x31: {  	v1 =	vld [tilespmem:s6+$0x0];
	_ =	sdelay $0x4  }
0x32: {  	v0 =	vadd.s32 v0, v1  }
0x33: {  	[tilespmem:s8+$0x0] =	vst v0;
	v0 =	vld [tilespmem:s8+$0x10]  }
0x34: {  	v1 =	vld [tilespmem:s6+$0x10]  }
.Ltmp0:
0x35: {  	(pc) =	sbr.rel @p0 .LBB2_2-.Ltmp0, $2  }
0x36: {  	_ =	sdelay $0x2  }
0x37: {  	s8 =	sadd.s32 $0x40, s8;
	v0 =	vadd.s32 v0, v1  }
0x38: {  	[tilespmem:s5+$0x10] =	vst v0  }
0x39: {  	[tilespmem:s14], [sflag:$0x1] =	stream.indirect.gather [hbm4b:s4+s13], $0x40, s3, s13, $0xb8;
	[tilespmem:$0x1BA00] =	vst v63  }
0x3a: {  	_ = 	snop  }
0x3b: {  	[tilespmem:s15], [sflag:$0x1] =	stream.indirect.gather [hbm4b:s4+s13], $0x40, s13, s13, $0xb8;
	[tilespmem:$0x1BA00] =	vst v63  }
0x3c: {  	s6 =	simm.s32 $0xD0  }
0x3d: {  	[tilespmem:s17], [sflag:$0x1] =	stream.indirect.gather [hbm4b:s4+s13], $0x40, s6, s13, $0xb8;
	[tilespmem:$0x1BA00] =	vst v63  }
0x3e: {  	s7 =	simm.s32 $0x138  }
0x3f: {  	[tilespmem:s19], [sflag:$0x1] =	stream.indirect.gather [hbm4b:s4+s13], $0x40, s7, s13, $0xb8;
	[tilespmem:$0x1BA00] =	vst v63  }
0x40: {  	s8 =	simm.s32 $0x1A0  }
0x41: {  	[tilespmem:s21], [sflag:$0x1] =	stream.indirect.gather [hbm4b:s4+s13], $0x40, s8, s13, $0xb8;
	[tilespmem:$0x1BA00] =	vst v63  }
0x42: {  	s6 =	simm.s32 $0x208  }
0x43: {  	[tilespmem:s23], [sflag:$0x1] =	stream.indirect.gather [hbm4b:s4+s13], $0x40, s6, s13, $0xb8;
	[tilespmem:$0x1BA00] =	vst v63  }
0x44: {  	s7 =	simm.s32 $0x270  }
0x45: {  	[tilespmem:s25], [sflag:$0x1] =	stream.indirect.gather [hbm4b:s4+s13], $0x40, s7, s13, $0xb8;
	[tilespmem:$0x1BA00] =	vst v63  }
0x46: {  	s8 =	simm.s32 $0x2D8  }
0x47: {  	[tilespmem:s28], [sflag:$0x1] =	stream.indirect.gather [hbm4b:s4+s13], $0x40, s8, s13, $0xb8;
	[tilespmem:$0x1BA00] =	vst v63  }
0x48: {  	s6 =	simm.s32 $0x340  }
0x49: {  	[tilespmem:s30], [sflag:$0x2] =	stream.indirect.gather [hbm4b:s4+s13], $0x40, s6, s13, $0xb8;
	[tilespmem:$0x1BA00] =	vst v63  }
0x4a: {  	s7 =	simm.s32 $0x3A8  }
0x4b: {  	[tilespmem:s0], [sflag:$0x2] =	stream.indirect.gather [hbm4b:s4+s13], $0x40, s7, s13, $0xb8;
	[tilespmem:$0x1BA00] =	vst v63  }
0x4c: {  	s8 =	simm.s32 $0x410  }
0x4d: {  	[tilespmem:s1], [sflag:$0x2] =	stream.indirect.gather [hbm4b:s4+s13], $0x40, s8, s13, $0xb8;
	[tilespmem:$0x1BA00] =	vst v63  }
0x4e: {  	s6 =	simm.s32 $0x478  }
0x4f: {  	[tilespmem:s16], [sflag:$0x2] =	stream.indirect.gather [hbm4b:s4+s13], $0x40, s6, s13, $0xb8;
	[tilespmem:$0x1BA00] =	vst v63  }
0x50: {  	s7 =	simm.s32 $0x4E0  }
0x51: {  	[tilespmem:s20], [sflag:$0x2] =	stream.indirect.gather [hbm4b:s4+s13], $0x40, s7, s13, $0xb8;
	[tilespmem:$0x1BA00] =	vst v63  }
0x52: {  	s8 =	simm.s32 $0x548  }
0x53: {  	[tilespmem:s24], [sflag:$0x2] =	stream.indirect.gather [hbm4b:s4+s13], $0x40, s8, s13, $0xb8;
	[tilespmem:$0x1BA00] =	vst v63  }
0x54: {  	s6 =	simm.s32 $0x5B0  }
0x55: {  	[tilespmem:s29], [sflag:$0x2] =	stream.indirect.gather [hbm4b:s4+s13], $0x40, s6, s13, $0xb8;
	[tilespmem:$0x1BA00] =	vst v63  }
0x56: {  	s7 =	simm.s32 $0x618  }
0x57: {  	[tilespmem:s2], [sflag:$0x2] =	stream.indirect.gather [hbm4b:s4+s13], $0x40, s7, s13, $0xb8;
	[tilespmem:$0x1BA00] =	vst v63  }
0x58: {  	_ =	swait.ge [sflag:s12], $0x1A00  }
0x59: {  	[sflag:s12] =	ssyncset.done $0x0  }
0x5a: {  	[sflag:s12] =	ssyncadd.s32 $0xFFFFE600  }
0x5b: {  	_ =	swait.ge [sflag:s12], $0x1A00  }
0x5c: {  	[sflag:s12] =	ssyncset.done $0x0  }
0x5d: {  	[sflag:s12] =	ssyncadd.s32 $0xFFFFE600  }
0x5e: {  	_ =	swait.ge [sflag:s12], $0x1A00  }
0x5f: {  	[sflag:s12] =	ssyncset.done $0x0  }
0x60: {  	[sflag:s12] =	ssyncadd.s32 $0xFFFFE600  }
0x61: {  	_ =	swait.ge [sflag:s12], $0x1A00  }
0x62: {  	[sflag:s12] =	ssyncset.done $0x0  }
0x63: {  	[sflag:s12] =	ssyncadd.s32 $0xFFFFE600  }
0x64: {  	_ =	swait.ge [sflag:s12], $0x1A00  }
0x65: {  	[sflag:s12] =	ssyncset.done $0x0  }
0x66: {  	[sflag:s12] =	ssyncadd.s32 $0xFFFFE600  }
0x67: {  	_ =	swait.ge [sflag:s12], $0x1A00  }
0x68: {  	[sflag:s12] =	ssyncset.done $0x0  }
0x69: {  	[sflag:s12] =	ssyncadd.s32 $0xFFFFE600  }
0x6a: {  	_ =	swait.ge [sflag:s12], $0x1A00  }
0x6b: {  	[sflag:s12] =	ssyncset.done $0x0  }
0x6c: {  	[sflag:s12] =	ssyncadd.s32 $0xFFFFE600  }
0x6d: {  	_ =	swait.ge [sflag:s12], $0x1A00  }
0x6e: {  	[sflag:s12] =	ssyncset.done $0x0  }
0x6f: {  	s8 =	rddreg [dreg:$0x4];
	[sflag:s12] =	ssyncadd.s32 $0xFFFFE600  }
0x70: {  	[hbm4b:s8+s3] =	stream.linear.scatter [tilespmem:s14], [sflag:$0x3], $0xD000, $0x38;
	[tilespmem:$0x1BA00] =	vst v63  }
0x71: {  	_ =	swait.ge [sflag:s18], $0x1A00  }
0x72: {  	[sflag:s18] =	ssyncset.done $0x0  }
0x73: {  	[sflag:s18] =	ssyncadd.s32 $0xFFFFE600  }
0x74: {  	_ =	swait.ge [sflag:s18], $0x1A00  }
0x75: {  	[sflag:s18] =	ssyncset.done $0x0  }
0x76: {  	[sflag:s18] =	ssyncadd.s32 $0xFFFFE600  }
0x77: {  	_ =	swait.ge [sflag:s18], $0x1A00  }
0x78: {  	[sflag:s18] =	ssyncset.done $0x0  }
0x79: {  	[sflag:s18] =	ssyncadd.s32 $0xFFFFE600  }
0x7a: {  	_ =	swait.ge [sflag:s18], $0x1A00  }
0x7b: {  	[sflag:s18] =	ssyncset.done $0x0  }
0x7c: {  	[sflag:s18] =	ssyncadd.s32 $0xFFFFE600  }
0x7d: {  	_ =	swait.ge [sflag:s18], $0x1A00  }
0x7e: {  	[sflag:s18] =	ssyncset.done $0x0  }
0x7f: {  	[sflag:s18] =	ssyncadd.s32 $0xFFFFE600  }
0x80: {  	_ =	swait.ge [sflag:s18], $0x1A00  }
0x81: {  	[sflag:s18] =	ssyncset.done $0x0  }
0x82: {  	[sflag:s18] =	ssyncadd.s32 $0xFFFFE600  }
0x83: {  	_ =	swait.ge [sflag:s18], $0x1A00  }
0x84: {  	[sflag:s18] =	ssyncset.done $0x0  }
0x85: {  	[sflag:s18] =	ssyncadd.s32 $0xFFFFE600  }
0x86: {  	_ =	swait.ge [sflag:s18], $0x1A00  }
0x87: {  	[sflag:s18] =	ssyncset.done $0x0  }
0x88: {  	s6 =	rddreg [dreg:$0x5];
	[sflag:s18] =	ssyncadd.s32 $0xFFFFE600  }
0x89: {  	[hbm4b:s6+s3] =	stream.linear.scatter [tilespmem:s30], [sflag:$0x4], $0xD000, $0x38;
	[tilespmem:$0x1BA00] =	vst v63  }
0x8a: {  	_ =	swait.ge [sflag:s22], $0xD000  }
0x8b: {  	[sflag:s22] =	ssyncset.done $0x0  }
0x8c: {  	s7 =	simm.s32 $0x680;
	[sflag:s22] =	ssyncadd.s32 $0xFFFF3000  }
0x8d: {  	[tilespmem:s14], [sflag:$0x1] =	stream.indirect.gather [hbm4b:s4+s13], $0x40, s7, s13, $0xb8;
	[tilespmem:$0x1BA00] =	vst v63  }
0x8e: {  	s8 =	simm.s32 $0x6E8  }
0x8f: {  	[tilespmem:s15], [sflag:$0x1] =	stream.indirect.gather [hbm4b:s4+s13], $0x40, s8, s13, $0xb8;
	[tilespmem:$0x1BA00] =	vst v63  }
0x90: {  	s6 =	simm.s32 $0x750  }
0x91: {  	[tilespmem:s17], [sflag:$0x1] =	stream.indirect.gather [hbm4b:s4+s13], $0x40, s6, s13, $0xb8;
	[tilespmem:$0x1BA00] =	vst v63  }
0x92: {  	s7 =	simm.s32 $0x7B8  }
0x93: {  	[tilespmem:s19], [sflag:$0x1] =	stream.indirect.gather [hbm4b:s4+s13], $0x40, s7, s13, $0xb8;
	[tilespmem:$0x1BA00] =	vst v63  }
0x94: {  	s8 =	simm.s32 $0x820  }
0x95: {  	[tilespmem:s21], [sflag:$0x1] =	stream.indirect.gather [hbm4b:s4+s13], $0x40, s8, s13, $0xb8;
	[tilespmem:$0x1BA00] =	vst v63  }
0x96: {  	s6 =	simm.s32 $0x888  }
0x97: {  	[tilespmem:s23], [sflag:$0x1] =	stream.indirect.gather [hbm4b:s4+s13], $0x40, s6, s13, $0xb8;
	[tilespmem:$0x1BA00] =	vst v63  }
0x98: {  	s7 =	simm.s32 $0x8F0  }
0x99: {  	[tilespmem:s25], [sflag:$0x1] =	stream.indirect.gather [hbm4b:s4+s13], $0x40, s7, s13, $0xb8;
	[tilespmem:$0x1BA00] =	vst v63  }
0x9a: {  	s8 =	simm.s32 $0x958  }
0x9b: {  	[tilespmem:s28], [sflag:$0x1] =	stream.indirect.gather [hbm4b:s4+s13], $0x40, s8, s13, $0xb8;
	[tilespmem:$0x1BA00] =	vst v63  }
0x9c: {  	_ =	swait.ge [sflag:s26], $0xD000  }
0x9d: {  	[sflag:s26] =	ssyncset.done $0x0  }
0x9e: {  	s6 =	simm.s32 $0x9C0;
	[sflag:s26] =	ssyncadd.s32 $0xFFFF3000  }
0x9f: {  	[tilespmem:s30], [sflag:$0x2] =	stream.indirect.gather [hbm4b:s4+s13], $0x40, s6, s13, $0xb8;
	[tilespmem:$0x1BA00] =	vst v63  }
0xa0: {  	s7 =	simm.s32 $0xA28  }
0xa1: {  	[tilespmem:s0], [sflag:$0x2] =	stream.indirect.gather [hbm4b:s4+s13], $0x40, s7, s13, $0xb8;
	[tilespmem:$0x1BA00] =	vst v63  }
0xa2: {  	s8 =	simm.s32 $0xA90  }
0xa3: {  	[tilespmem:s1], [sflag:$0x2] =	stream.indirect.gather [hbm4b:s4+s13], $0x40, s8, s13, $0xb8;
	[tilespmem:$0x1BA00] =	vst v63  }
0xa4: {  	s6 =	simm.s32 $0xAF8  }
0xa5: {  	[tilespmem:s16], [sflag:$0x2] =	stream.indirect.gather [hbm4b:s4+s13], $0x40, s6, s13, $0xb8;
	[tilespmem:$0x1BA00] =	vst v63  }
0xa6: {  	s7 =	simm.s32 $0xB60  }
0xa7: {  	[tilespmem:s20], [sflag:$0x2] =	stream.indirect.gather [hbm4b:s4+s13], $0x40, s7, s13, $0xb8;
	[tilespmem:$0x1BA00] =	vst v63  }
0xa8: {  	s8 =	simm.s32 $0xBC8  }
0xa9: {  	[tilespmem:s24], [sflag:$0x2] =	stream.indirect.gather [hbm4b:s4+s13], $0x40, s8, s13, $0xb8;
	[tilespmem:$0x1BA00] =	vst v63  }
0xaa: {  	s6 =	simm.s32 $0xC30  }
0xab: {  	[tilespmem:s29], [sflag:$0x2] =	stream.indirect.gather [hbm4b:s4+s13], $0x40, s6, s13, $0xb8;
	[tilespmem:$0x1BA00] =	vst v63  }
0xac: {  	s7 =	simm.s32 $0xC98  }
0xad: {  	[tilespmem:s2], [sflag:$0x2] =	stream.indirect.gather [hbm4b:s4+s13], $0x40, s7, s13, $0xb8;
	[tilespmem:$0x1BA00] =	vst v63  }
0xae: {  	_ =	swait.ge [sflag:s12], $0x1A00  }
0xaf: {  	[sflag:s12] =	ssyncset.done $0x0  }
0xb0: {  	[sflag:s12] =	ssyncadd.s32 $0xFFFFE600  }
0xb1: {  	_ =	swait.ge [sflag:s12], $0x1A00  }
0xb2: {  	[sflag:s12] =	ssyncset.done $0x0  }
0xb3: {  	[sflag:s12] =	ssyncadd.s32 $0xFFFFE600  }
0xb4: {  	_ =	swait.ge [sflag:s12], $0x1A00  }
0xb5: {  	[sflag:s12] =	ssyncset.done $0x0  }
0xb6: {  	[sflag:s12] =	ssyncadd.s32 $0xFFFFE600  }
0xb7: {  	_ =	swait.ge [sflag:s12], $0x1A00  }
0xb8: {  	[sflag:s12] =	ssyncset.done $0x0  }
0xb9: {  	[sflag:s12] =	ssyncadd.s32 $0xFFFFE600  }
0xba: {  	_ =	swait.ge [sflag:s12], $0x1A00  }
0xbb: {  	[sflag:s12] =	ssyncset.done $0x0  }
0xbc: {  	[sflag:s12] =	ssyncadd.s32 $0xFFFFE600  }
0xbd: {  	_ =	swait.ge [sflag:s12], $0x1A00  }
0xbe: {  	[sflag:s12] =	ssyncset.done $0x0  }
0xbf: {  	[sflag:s12] =	ssyncadd.s32 $0xFFFFE600  }
0xc0: {  	_ =	swait.ge [sflag:s12], $0x1A00  }
0xc1: {  	[sflag:s12] =	ssyncset.done $0x0  }
0xc2: {  	[sflag:s12] =	ssyncadd.s32 $0xFFFFE600  }
0xc3: {  	_ =	swait.ge [sflag:s12], $0x1A00  }
0xc4: {  	[sflag:s12] =	ssyncset.done $0x0  }
0xc5: {  	s8 =	rddreg [dreg:$0x6];
	[sflag:s12] =	ssyncadd.s32 $0xFFFFE600  }
0xc6: {  	[hbm4b:s8+s3] =	stream.linear.scatter [tilespmem:s14], [sflag:$0x3], $0xD000, $0x38;
	[tilespmem:$0x1BA00] =	vst v63  }
0xc7: {  	_ =	swait.ge [sflag:s18], $0x1A00  }
0xc8: {  	[sflag:s18] =	ssyncset.done $0x0  }
0xc9: {  	[sflag:s18] =	ssyncadd.s32 $0xFFFFE600  }
0xca: {  	_ =	swait.ge [sflag:s18], $0x1A00  }
0xcb: {  	[sflag:s18] =	ssyncset.done $0x0  }
0xcc: {  	[sflag:s18] =	ssyncadd.s32 $0xFFFFE600  }
0xcd: {  	_ =	swait.ge [sflag:s18], $0x1A00  }
0xce: {  	[sflag:s18] =	ssyncset.done $0x0  }
0xcf: {  	[sflag:s18] =	ssyncadd.s32 $0xFFFFE600  }
0xd0: {  	_ =	swait.ge [sflag:s18], $0x1A00  }
0xd1: {  	[sflag:s18] =	ssyncset.done $0x0  }
0xd2: {  	[sflag:s18] =	ssyncadd.s32 $0xFFFFE600  }
0xd3: {  	_ =	swait.ge [sflag:s18], $0x1A00  }
0xd4: {  	[sflag:s18] =	ssyncset.done $0x0  }
0xd5: {  	[sflag:s18] =	ssyncadd.s32 $0xFFFFE600  }
0xd6: {  	_ =	swait.ge [sflag:s18], $0x1A00  }
0xd7: {  	[sflag:s18] =	ssyncset.done $0x0  }
0xd8: {  	[sflag:s18] =	ssyncadd.s32 $0xFFFFE600  }
0xd9: {  	_ =	swait.ge [sflag:s18], $0x1A00  }
0xda: {  	[sflag:s18] =	ssyncset.done $0x0  }
0xdb: {  	[sflag:s18] =	ssyncadd.s32 $0xFFFFE600  }
0xdc: {  	_ =	swait.ge [sflag:s18], $0x1A00  }
0xdd: {  	[sflag:s18] =	ssyncset.done $0x0  }
0xde: {  	s31 =	sadd.s32 $0x1, s31;
	[sflag:s18] =	ssyncadd.s32 $0xFFFFE600  }
0xdf: {  	[hbm4b:s9+s3] =	stream.linear.scatter [tilespmem:s30], [sflag:$0x4], $0xD000, $0x38;
	[tilespmem:$0x1BA00] =	vst v63  }
0xe0: {  	p0 =	sne.s32 s31, s10;
	_ =	swait.ge [sflag:s22], $0xD000  }
.Ltmp1:
0xe1: {  	[sflag:s22] =	ssyncset.done $0x0;
	(pc) =	sbr.rel @p0 .LBB2_1-.Ltmp1, $4  }
0xe2: {  	[sflag:s22] =	ssyncadd.s32 $0xFFFF3000  }
0xe3: {  	_ =	swait.ge [sflag:s26], $0xD000  }
0xe4: {  	[sflag:s26] =	ssyncset.done $0x0  }
0xe5: {  	[sflag:s26] =	ssyncadd.s32 $0xFFFF3000  }
0xe6: {  	_ =	sfence.sel $0x180000  }
0xe7: {  	[bflag:$0x0] =	sbarrier.arrive $0xFFFF  }
0xe8: {  	_ =	strace $0x90000047  }
0xe9: {  	s0 =	stileid.u32;
	[bflag:$0x2] =	sbarrier.arrive $0xFFFF  }
0xea: {  	p0 =	sne.s32 s0, $0x0;
	s0 =	rddreg [dreg:$0x2]  }
0xeb: {  	s0 =	sadd.s32 @!p0 $0x100000, s0  }
0xec: {  	[sflag:s0] =	ssyncadd.tile.s32 @!p0 $0x1;
	_ =	shalt  }
.Lfunc_end2:
_tile_overlayer_lowered:
.L_overlay_start_2:
0xed: {  	(tag) =	ssettag $0x2  }
0xee: {  	s0 =	rddreg [dreg:$0x0];
	s2 =	stileid.u32  }
0xef: {  	s1 =	rddreg [dreg:$0x1];
	p0 =	sne.s32 s2, $0x0  }
0xf0: {  	s3 =	rddreg [dreg:$0x2];
	[bflag:$0x3] =	sbarrier.arrive $0xFFFF;
	s2 =	simm.s32 @!p0 $0x1C05  }
0xf1: {  	[timem:s3], [sflag:s2] =	dma.local @!p0 [hbm:s0], s1  }
0xf2: {  	s0 =	simm.s32 @!p0 $0x5  }
0xf3: {  	_ =	swait.ge @!p0 [sflag:s0], s1  }
0xf4: {  	s1 =	ssub.s32 @!p0 $0x0, s1;
	[sflag:s0] =	ssyncset.done @!p0 $0x0  }
0xf5: {  	[sflag:s0] =	ssyncadd.s32 @!p0 s1  }
0xf6: {  	[bflag:$0x3] =	sbarrier.arrive $0xFFFF  }
0xf7: {  	_ =	shalt  }

</sc_bundles>
